<compile_context>
chip_gen: v7x
topology: tpu7x:2x2x1
jax: 0.10.2.dev20260603
libtpu: 0.0.44.dev20260713+nightly
codegen_flags: <defaults>
</compile_context>

<pallas_src>
import functools

import jax
import jax.numpy as jnp
from jax import lax
from jax.experimental import pallas as pl
from jax.experimental.pallas import tpu as pltpu
from jax.experimental.pallas import tpu_sc as plsc

B, N, D, E, Fe = 2, 10000, 128, 320000, 16

NS = 16
EP = E // NS
K = 80
C = EP // K
G = 25
NG = C // G
RT = 80
NT = N // RT



def _s1_body(ef_ref, g_ref, w4_ref, out_ref):
    ef = ef_ref[0].astype(jnp.bfloat16)
    w4 = w4_ref[...].astype(jnp.bfloat16)
    x = lax.dot_general(ef, w4, (((1,), (1,)), ((), ())),
                        preferred_element_type=jnp.float32)
    x = jnp.where(x >= 0, x, 0.01 * x)
    out_ref[0] = x * g_ref[0]


def _stage1(edge_features, gate_col, W4):
    T = 2560
    grid = (B, E // T)
    return pl.pallas_call(
        _s1_body,
        grid=grid,
        in_specs=[
            pl.BlockSpec((1, T, Fe), lambda b, i: (b, i, 0)),
            pl.BlockSpec((1, T, 1), lambda b, i: (b, i, 0)),
            pl.BlockSpec((D, Fe), lambda b, i: (0, 0)),
        ],
        out_specs=pl.BlockSpec((1, T, D), lambda b, i: (b, i, 0)),
        out_shape=jax.ShapeDtypeStruct((B, E, D), jnp.float32),
    )(edge_features, gate_col, W4)



def _sc_body(x4_hbm, uv_hbm, out_hbm, uv_buf, u_buf, v_buf, rows, stage, msg_sh):
    c = lax.axis_index("c")
    s = lax.axis_index("s")

    def _zrow(i, _):
        def _zcol(j, _):
            stage[i, pl.ds(j * 16, 16)] = jnp.zeros((16,), jnp.float32)
            return 0
        return lax.fori_loop(0, D // 16, _zcol, 0)
    lax.fori_loop(0, RT, _zrow, 0)
    for j in range(pl.cdiv(NT, NS)):
        t = s + j * NS

        @pl.when(t < NT)
        def _():
            pltpu.sync_copy(stage, msg_sh.at[pl.ds(t * RT, RT)])
    plsc.subcore_barrier()

    lanes2 = lax.iota(jnp.int32, 16) * 2

    def _group(gi, _):
        pltpu.sync_copy(uv_hbm.at[s, gi], uv_buf)

        def _deint(jj, _):
            for t in range(K // 16):
                iu = lanes2 + (jj * (2 * K) + t * 32)
                u_buf[jj, pl.ds(t * 16, 16)] = plsc.load_gather(uv_buf, [iu])
                v_buf[jj, pl.ds(t * 16, 16)] = plsc.load_gather(uv_buf, [iu + 1])
            return 0
        lax.fori_loop(0, G, _deint, 0)

        def _chunk(jj, _):
            base = s * EP + (gi * G + jj) * K
            pltpu.sync_copy(x4_hbm.at[c, pl.ds(base, K)], rows)
            pltpu.sync_copy(rows, msg_sh.at[u_buf.at[jj]], add=True)
            pltpu.sync_copy(rows, msg_sh.at[v_buf.at[jj]], add=True)
            return 0
        return lax.fori_loop(0, G, _chunk, 0)
    lax.fori_loop(0, NG, _group, 0)
    plsc.subcore_barrier()

    for j in range(pl.cdiv(NT, NS)):
        t = s + j * NS

        @pl.when(t < NT)
        def _():
            pltpu.sync_copy(msg_sh.at[pl.ds(t * RT, RT)], stage)
            pltpu.sync_copy(stage, out_hbm.at[c, pl.ds(t * RT, RT)])


@functools.lru_cache(maxsize=1)
def _sc_scatter():
    return pl.kernel(
        _sc_body,
        out_type=jax.ShapeDtypeStruct((B, N, D), jnp.float32),
        mesh=plsc.VectorSubcoreMesh(core_axis_name="c", subcore_axis_name="s"),
        compiler_params=pltpu.CompilerParams(needs_layout_passes=False),
        scratch_types=[
            pltpu.VMEM((G * K * 2,), jnp.int32),
            pltpu.VMEM((G, K), jnp.int32),
            pltpu.VMEM((G, K), jnp.int32),
            pltpu.VMEM((K, D), jnp.float32),
            pltpu.VMEM((RT, D), jnp.float32),
            pltpu.VMEM_SHARED((N, D), jnp.float32),
        ],
    )



def _s3_body(msg_ref, w3_ref, out_ref):
    out_ref[0] = lax.dot_general(msg_ref[0], w3_ref[...],
                                 (((1,), (1,)), ((), ())),
                                 preferred_element_type=jnp.float32)


def _stage3(msg, W3):
    return pl.pallas_call(
        _s3_body,
        grid=(B,),
        in_specs=[
            pl.BlockSpec((1, N, D), lambda b: (b, 0, 0)),
            pl.BlockSpec((D, D), lambda b: (0, 0)),
        ],
        out_specs=pl.BlockSpec((1, N, D), lambda b: (b, 0, 0)),
        out_shape=jax.ShapeDtypeStruct((B, N, D), jnp.float32),
    )(msg, W3)



def kernel(embeddings, edges_ij, edge_features, edge_status, W3, W4):
    g = edge_status
    if g.ndim == 1:
        g = g[None, :]
    g = jnp.broadcast_to(g, (B, E)).astype(jnp.float32)
    gate_col = g[:, :, None]

    x4 = _stage1(edge_features, gate_col, W4)

    uv = edges_ij.reshape(NS, NG, G * K * 2)
    msg = _sc_scatter()(x4, uv)

    return _stage3(msg, W3)

# --- scband reference (transcript-rebuilt; emitter-appended) ---
"""Pipeline reference for scband-edge-features-embedding-layer-70669391888819 (READ-ONLY COPY).

The authoritative reference and input builder live on the scoring server;
editing this copy changes nothing except your own understanding.
"""

import jax, jax.numpy as jnp
import numpy as np


def setup_inputs(seed: int = 0) -> dict:
    key = jax.random.key(seed)
    ks = jax.random.split(key, 6)
    B, N, D, E, Fe = 2, 10000, 128, 320000, 16
    embeddings = jax.random.normal(ks[0], (B, N, D), dtype=jnp.float32)
    edges_ij = jax.random.randint(ks[1], (E, 2), 0, N, dtype=jnp.int32)
    edge_features = jax.random.normal(ks[2], (B, E, Fe), dtype=jnp.float32)
    edge_status = jax.random.uniform(ks[3], (B, E), dtype=jnp.float32)
    # Learned parameters (torch nn.Linear stores weight as (out, in); y = x @ W.T)
    W3 = jax.random.normal(ks[4], (D, D), dtype=jnp.float32) * (1.0 / np.sqrt(D))
    W4 = jax.random.normal(ks[5], (D, Fe), dtype=jnp.float32) * (1.0 / np.sqrt(Fe))
    return {
        "embeddings": embeddings,
        "edges_ij": edges_ij,
        "edge_features": edge_features,
        "edge_status": edge_status,
        "W3": W3,
        "W4": W4,
    }


def reference(embeddings, edges_ij, edge_features, edge_status, W3, W4):
    B, N, D = embeddings.shape
    u = edges_ij[:, 0]
    v = edges_ij[:, 1]
    # theta4 linear + leaky_relu (torch default negative_slope=0.01)
    x4 = jax.nn.leaky_relu(edge_features @ W4.T, negative_slope=0.01)  # (B, E, D)
    g = edge_status
    if g.ndim == 1:
        g = g[None, :]
    if g.ndim == 2:
        g = g[:, :, None]
    if g.shape[0] == 1 and B > 1:
        g = jnp.broadcast_to(g, (B, g.shape[1], g.shape[2]))
    g = g.astype(x4.dtype)
    x4 = x4 * g
    # scatter-add messages into both endpoints along node axis
    msg = jnp.zeros((B, N, D), dtype=x4.dtype)
    msg = msg.at[:, u, :].add(x4)
    msg = msg.at[:, v, :].add(x4)
    # theta3 linear
    return msg @ W3.T

if __name__ == "__main__":
    import jax
    _d = setup_inputs()
    print(jax.jit(kernel)(*tuple(_d.values())))

</pallas_src>

<mosaic_0001>
#map = affine_map<(d0, d1) -> (0, 0, 0)>
module attributes {stable_mosaic.version = 14 : i64} {
  func.func @_sc_body(%arg0: i32, %arg1: i32, %arg2: memref<2x320000x128xf32, #tpu.memory_space<hbm>>, %arg3: memref<16x10x4000xi32, #tpu.memory_space<hbm>>, %arg4: memref<2x10000x128xf32, #tpu.memory_space<hbm>>, %arg5: memref<4000xi32, #tpu.memory_space<vmem>>, %arg6: memref<25x80xi32, #tpu.memory_space<vmem>>, %arg7: memref<25x80xi32, #tpu.memory_space<vmem>>, %arg8: memref<80x128xf32, #tpu.memory_space<vmem>>, %arg9: memref<80x128xf32, #tpu.memory_space<vmem>>, %arg10: memref<10000x128xf32, #tpu.memory_space<vmem_shared>>) attributes {dimension_semantics = [#tpu.dimension_semantics<core_parallel>, #tpu.dimension_semantics<subcore_parallel>], iteration_bounds = array<i64: 2, 16>, scalar_prefetch = 0 : i64, scratch_operands = 6 : i64, tpu.core_type = #tpu.core_type<sc_vector_subcore>, window_params = [{transform_indices = #map}, {transform_indices = #map}, {transform_indices = #map}]} {
    %scan3A = arith.constant 0 : i32
    %scan3A_0 = arith.constant 0 : i32
    %scan3A_1 = arith.constant 80 : i32
    %scan3A_2 = arith.addi %scan3A_0, %scan3A_1 : i32
    %scan3A_3 = arith.constant 1 : i32
    %scan3A_4 = scf.for %scan3A_124 = %scan3A_0 to %scan3A_2 step %scan3A_3 iter_args(%scan3A_125 = %scan3A) -> (i32)  : i32 {
      %scan3A_126 = arith.constant 0 : i32
      %scan3A_127 = arith.constant 0 : i32
      %scan3A_128 = arith.constant 8 : i32
      %scan3A_129 = arith.addi %scan3A_127, %scan3A_128 : i32
      %scan3A_130 = arith.constant 1 : i32
      %scan3A_131 = scf.for %scan3A_133 = %scan3A_127 to %scan3A_129 step %scan3A_130 iter_args(%scan3A_134 = %scan3A_126) -> (i32)  : i32 {
        %broadcast_in_dim3A = arith.constant 0.000000e+00 : f32
        %broadcast_in_dim3A_135 = vector.broadcast %broadcast_in_dim3A : f32 to vector<16xf32>
        %mul3A_136 = arith.constant 16 : i32
        %mul3A_137 = arith.muli %scan3A_133, %mul3A_136 : i32
        %swap3A = arith.index_cast %scan3A_124 : i32 to index
        %swap3A_138 = arith.index_cast %mul3A_137 : i32 to index
        %swap3A_139 = tpu.vector_load %arg9[%swap3A, %swap3A_138] {strides = array<i32>} : memref<80x128xf32, #tpu.memory_space<vmem>>, vector<16xf32>,
        tpu.vector_store %arg9[%swap3A, %swap3A_138], %broadcast_in_dim3A_135 {strides = array<i32>} : memref<80x128xf32, #tpu.memory_space<vmem>>, vector<16xf32>,
        %scan3A_140 = arith.constant 0 : i32
        scf.yield %scan3A_140 : i32
      }
      %scan3A_132 = arith.constant 8 : i32
      scf.yield %scan3A_131 : i32
    }
    %scan3A_5 = arith.constant 80 : i32
    %add3A = arith.constant 0 : i32
    %add3A_6 = arith.addi %arg1, %add3A : i32
    %lt3A = arith.constant 125 : i32
    %lt3A_7 = arith.cmpi slt, %add3A_6, %lt3A : i32
    %convert_element_type3A = arith.extui %lt3A_7 : i1 to i32
    %cond3A = arith.constant 0 : i32
    %cond3A_8 = arith.cmpi ne, %convert_element_type3A, %cond3A : i32
    scf.if %cond3A_8 {
      %mul3A_124 = arith.constant 80 : i32
      %mul3A_125 = arith.muli %add3A_6, %mul3A_124 : i32
      "tpu.region"() ({
        %run_scoped3A = tpu.sem_alloc : memref<!tpu.dma_semaphore, #tpu.memory_space<semaphore_mem>>
        %dma_start3A = arith.constant 0 : i32
        %dma_start3A_126 = tpu.memref_slice %arg10[%mul3A_125, %dma_start3A] : memref<10000x128xf32, #tpu.memory_space<vmem_shared>> -> memref<80x128xf32, #tpu.memory_space<vmem_shared>>
        %dma_start3A_127 = arith.constant 0 : i32
        %dma_start3A_128 = tpu.memref_slice %arg10[%mul3A_125, %dma_start3A_127] : memref<10000x128xf32, #tpu.memory_space<vmem_shared>> -> memref<80x128xf32, #tpu.memory_space<vmem_shared>>
        tpu.enqueue_dma source(%arg9 : memref<80x128xf32, #tpu.memory_space<vmem>>) target(%dma_start3A_128 : memref<80x128xf32, #tpu.memory_space<vmem_shared>>) target_semaphore(%run_scoped3A : memref<!tpu.dma_semaphore, #tpu.memory_space<semaphore_mem>>)
        %dma_wait3A = arith.constant 0 : i32
        %dma_wait3A_129 = tpu.memref_slice %arg10[%mul3A_125, %dma_wait3A] : memref<10000x128xf32, #tpu.memory_space<vmem_shared>> -> memref<80x128xf32, #tpu.memory_space<vmem_shared>>
        %dma_wait3A_130 = arith.constant 0 : i32
        %dma_wait3A_131 = tpu.memref_slice %arg10[%mul3A_125, %dma_wait3A_130] : memref<10000x128xf32, #tpu.memory_space<vmem_shared>> -> memref<80x128xf32, #tpu.memory_space<vmem_shared>>
        tpu.wait_dma2 semaphore(%run_scoped3A : memref<!tpu.dma_semaphore, #tpu.memory_space<semaphore_mem>>) src(%arg9 : memref<80x128xf32, #tpu.memory_space<vmem>>) dst(%dma_wait3A_131 : memref<80x128xf32, #tpu.memory_space<vmem_shared>>)
        tpu.yield
      }) : () -> ()
    } else {
    }
    %add3A_9 = arith.constant 16 : i32
    %add3A_10 = arith.addi %arg1, %add3A_9 : i32
    %lt3A_11 = arith.constant 125 : i32
    %lt3A_12 = arith.cmpi slt, %add3A_10, %lt3A_11 : i32
    %convert_element_type3A_13 = arith.extui %lt3A_12 : i1 to i32
    %cond3A_14 = arith.constant 0 : i32
    %cond3A_15 = arith.cmpi ne, %convert_element_type3A_13, %cond3A_14 : i32
    scf.if %cond3A_15 {
      %mul3A_124 = arith.constant 80 : i32
      %mul3A_125 = arith.muli %add3A_10, %mul3A_124 : i32
      "tpu.region"() ({
        %run_scoped3A = tpu.sem_alloc : memref<!tpu.dma_semaphore, #tpu.memory_space<semaphore_mem>>
        %dma_start3A = arith.constant 0 : i32
        %dma_start3A_126 = tpu.memref_slice %arg10[%mul3A_125, %dma_start3A] : memref<10000x128xf32, #tpu.memory_space<vmem_shared>> -> memref<80x128xf32, #tpu.memory_space<vmem_shared>>
        %dma_start3A_127 = arith.constant 0 : i32
        %dma_start3A_128 = tpu.memref_slice %arg10[%mul3A_125, %dma_start3A_127] : memref<10000x128xf32, #tpu.memory_space<vmem_shared>> -> memref<80x128xf32, #tpu.memory_space<vmem_shared>>
        tpu.enqueue_dma source(%arg9 : memref<80x128xf32, #tpu.memory_space<vmem>>) target(%dma_start3A_128 : memref<80x128xf32, #tpu.memory_space<vmem_shared>>) target_semaphore(%run_scoped3A : memref<!tpu.dma_semaphore, #tpu.memory_space<semaphore_mem>>)
        %dma_wait3A = arith.constant 0 : i32
        %dma_wait3A_129 = tpu.memref_slice %arg10[%mul3A_125, %dma_wait3A] : memref<10000x128xf32, #tpu.memory_space<vmem_shared>> -> memref<80x128xf32, #tpu.memory_space<vmem_shared>>
        %dma_wait3A_130 = arith.constant 0 : i32
        %dma_wait3A_131 = tpu.memref_slice %arg10[%mul3A_125, %dma_wait3A_130] : memref<10000x128xf32, #tpu.memory_space<vmem_shared>> -> memref<80x128xf32, #tpu.memory_space<vmem_shared>>
        tpu.wait_dma2 semaphore(%run_scoped3A : memref<!tpu.dma_semaphore, #tpu.memory_space<semaphore_mem>>) src(%arg9 : memref<80x128xf32, #tpu.memory_space<vmem>>) dst(%dma_wait3A_131 : memref<80x128xf32, #tpu.memory_space<vmem_shared>>)
        tpu.yield
      }) : () -> ()
    } else {
    }
    %add3A_16 = arith.constant 32 : i32
    %add3A_17 = arith.addi %arg1, %add3A_16 : i32
    %lt3A_18 = arith.constant 125 : i32
    %lt3A_19 = arith.cmpi slt, %add3A_17, %lt3A_18 : i32
    %convert_element_type3A_20 = arith.extui %lt3A_19 : i1 to i32
    %cond3A_21 = arith.constant 0 : i32
    %cond3A_22 = arith.cmpi ne, %convert_element_type3A_20, %cond3A_21 : i32
    scf.if %cond3A_22 {
      %mul3A_124 = arith.constant 80 : i32
      %mul3A_125 = arith.muli %add3A_17, %mul3A_124 : i32
      "tpu.region"() ({
        %run_scoped3A = tpu.sem_alloc : memref<!tpu.dma_semaphore, #tpu.memory_space<semaphore_mem>>
        %dma_start3A = arith.constant 0 : i32
        %dma_start3A_126 = tpu.memref_slice %arg10[%mul3A_125, %dma_start3A] : memref<10000x128xf32, #tpu.memory_space<vmem_shared>> -> memref<80x128xf32, #tpu.memory_space<vmem_shared>>
        %dma_start3A_127 = arith.constant 0 : i32
        %dma_start3A_128 = tpu.memref_slice %arg10[%mul3A_125, %dma_start3A_127] : memref<10000x128xf32, #tpu.memory_space<vmem_shared>> -> memref<80x128xf32, #tpu.memory_space<vmem_shared>>
        tpu.enqueue_dma source(%arg9 : memref<80x128xf32, #tpu.memory_space<vmem>>) target(%dma_start3A_128 : memref<80x128xf32, #tpu.memory_space<vmem_shared>>) target_semaphore(%run_scoped3A : memref<!tpu.dma_semaphore, #tpu.memory_space<semaphore_mem>>)
        %dma_wait3A = arith.constant 0 : i32
        %dma_wait3A_129 = tpu.memref_slice %arg10[%mul3A_125, %dma_wait3A] : memref<10000x128xf32, #tpu.memory_space<vmem_shared>> -> memref<80x128xf32, #tpu.memory_space<vmem_shared>>
        %dma_wait3A_130 = arith.constant 0 : i32
        %dma_wait3A_131 = tpu.memref_slice %arg10[%mul3A_125, %dma_wait3A_130] : memref<10000x128xf32, #tpu.memory_space<vmem_shared>> -> memref<80x128xf32, #tpu.memory_space<vmem_shared>>
        tpu.wait_dma2 semaphore(%run_scoped3A : memref<!tpu.dma_semaphore, #tpu.memory_space<semaphore_mem>>) src(%arg9 : memref<80x128xf32, #tpu.memory_space<vmem>>) dst(%dma_wait3A_131 : memref<80x128xf32, #tpu.memory_space<vmem_shared>>)
        tpu.yield
      }) : () -> ()
    } else {
    }
    %add3A_23 = arith.constant 48 : i32
    %add3A_24 = arith.addi %arg1, %add3A_23 : i32
    %lt3A_25 = arith.constant 125 : i32
    %lt3A_26 = arith.cmpi slt, %add3A_24, %lt3A_25 : i32
    %convert_element_type3A_27 = arith.extui %lt3A_26 : i1 to i32
    %cond3A_28 = arith.constant 0 : i32
    %cond3A_29 = arith.cmpi ne, %convert_element_type3A_27, %cond3A_28 : i32
    scf.if %cond3A_29 {
      %mul3A_124 = arith.constant 80 : i32
      %mul3A_125 = arith.muli %add3A_24, %mul3A_124 : i32
      "tpu.region"() ({
        %run_scoped3A = tpu.sem_alloc : memref<!tpu.dma_semaphore, #tpu.memory_space<semaphore_mem>>
        %dma_start3A = arith.constant 0 : i32
        %dma_start3A_126 = tpu.memref_slice %arg10[%mul3A_125, %dma_start3A] : memref<10000x128xf32, #tpu.memory_space<vmem_shared>> -> memref<80x128xf32, #tpu.memory_space<vmem_shared>>
        %dma_start3A_127 = arith.constant 0 : i32
        %dma_start3A_128 = tpu.memref_slice %arg10[%mul3A_125, %dma_start3A_127] : memref<10000x128xf32, #tpu.memory_space<vmem_shared>> -> memref<80x128xf32, #tpu.memory_space<vmem_shared>>
        tpu.enqueue_dma source(%arg9 : memref<80x128xf32, #tpu.memory_space<vmem>>) target(%dma_start3A_128 : memref<80x128xf32, #tpu.memory_space<vmem_shared>>) target_semaphore(%run_scoped3A : memref<!tpu.dma_semaphore, #tpu.memory_space<semaphore_mem>>)
        %dma_wait3A = arith.constant 0 : i32
        %dma_wait3A_129 = tpu.memref_slice %arg10[%mul3A_125, %dma_wait3A] : memref<10000x128xf32, #tpu.memory_space<vmem_shared>> -> memref<80x128xf32, #tpu.memory_space<vmem_shared>>
        %dma_wait3A_130 = arith.constant 0 : i32
        %dma_wait3A_131 = tpu.memref_slice %arg10[%mul3A_125, %dma_wait3A_130] : memref<10000x128xf32, #tpu.memory_space<vmem_shared>> -> memref<80x128xf32, #tpu.memory_space<vmem_shared>>
        tpu.wait_dma2 semaphore(%run_scoped3A : memref<!tpu.dma_semaphore, #tpu.memory_space<semaphore_mem>>) src(%arg9 : memref<80x128xf32, #tpu.memory_space<vmem>>) dst(%dma_wait3A_131 : memref<80x128xf32, #tpu.memory_space<vmem_shared>>)
        tpu.yield
      }) : () -> ()
    } else {
    }
    %add3A_30 = arith.constant 64 : i32
    %add3A_31 = arith.addi %arg1, %add3A_30 : i32
    %lt3A_32 = arith.constant 125 : i32
    %lt3A_33 = arith.cmpi slt, %add3A_31, %lt3A_32 : i32
    %convert_element_type3A_34 = arith.extui %lt3A_33 : i1 to i32
    %cond3A_35 = arith.constant 0 : i32
    %cond3A_36 = arith.cmpi ne, %convert_element_type3A_34, %cond3A_35 : i32
    scf.if %cond3A_36 {
      %mul3A_124 = arith.constant 80 : i32
      %mul3A_125 = arith.muli %add3A_31, %mul3A_124 : i32
      "tpu.region"() ({
        %run_scoped3A = tpu.sem_alloc : memref<!tpu.dma_semaphore, #tpu.memory_space<semaphore_mem>>
        %dma_start3A = arith.constant 0 : i32
        %dma_start3A_126 = tpu.memref_slice %arg10[%mul3A_125, %dma_start3A] : memref<10000x128xf32, #tpu.memory_space<vmem_shared>> -> memref<80x128xf32, #tpu.memory_space<vmem_shared>>
        %dma_start3A_127 = arith.constant 0 : i32
        %dma_start3A_128 = tpu.memref_slice %arg10[%mul3A_125, %dma_start3A_127] : memref<10000x128xf32, #tpu.memory_space<vmem_shared>> -> memref<80x128xf32, #tpu.memory_space<vmem_shared>>
        tpu.enqueue_dma source(%arg9 : memref<80x128xf32, #tpu.memory_space<vmem>>) target(%dma_start3A_128 : memref<80x128xf32, #tpu.memory_space<vmem_shared>>) target_semaphore(%run_scoped3A : memref<!tpu.dma_semaphore, #tpu.memory_space<semaphore_mem>>)
        %dma_wait3A = arith.constant 0 : i32
        %dma_wait3A_129 = tpu.memref_slice %arg10[%mul3A_125, %dma_wait3A] : memref<10000x128xf32, #tpu.memory_space<vmem_shared>> -> memref<80x128xf32, #tpu.memory_space<vmem_shared>>
        %dma_wait3A_130 = arith.constant 0 : i32
        %dma_wait3A_131 = tpu.memref_slice %arg10[%mul3A_125, %dma_wait3A_130] : memref<10000x128xf32, #tpu.memory_space<vmem_shared>> -> memref<80x128xf32, #tpu.memory_space<vmem_shared>>
        tpu.wait_dma2 semaphore(%run_scoped3A : memref<!tpu.dma_semaphore, #tpu.memory_space<semaphore_mem>>) src(%arg9 : memref<80x128xf32, #tpu.memory_space<vmem>>) dst(%dma_wait3A_131 : memref<80x128xf32, #tpu.memory_space<vmem_shared>>)
        tpu.yield
      }) : () -> ()
    } else {
    }
    %add3A_37 = arith.constant 80 : i32
    %add3A_38 = arith.addi %arg1, %add3A_37 : i32
    %lt3A_39 = arith.constant 125 : i32
    %lt3A_40 = arith.cmpi slt, %add3A_38, %lt3A_39 : i32
    %convert_element_type3A_41 = arith.extui %lt3A_40 : i1 to i32
    %cond3A_42 = arith.constant 0 : i32
    %cond3A_43 = arith.cmpi ne, %convert_element_type3A_41, %cond3A_42 : i32
    scf.if %cond3A_43 {
      %mul3A_124 = arith.constant 80 : i32
      %mul3A_125 = arith.muli %add3A_38, %mul3A_124 : i32
      "tpu.region"() ({
        %run_scoped3A = tpu.sem_alloc : memref<!tpu.dma_semaphore, #tpu.memory_space<semaphore_mem>>
        %dma_start3A = arith.constant 0 : i32
        %dma_start3A_126 = tpu.memref_slice %arg10[%mul3A_125, %dma_start3A] : memref<10000x128xf32, #tpu.memory_space<vmem_shared>> -> memref<80x128xf32, #tpu.memory_space<vmem_shared>>
        %dma_start3A_127 = arith.constant 0 : i32
        %dma_start3A_128 = tpu.memref_slice %arg10[%mul3A_125, %dma_start3A_127] : memref<10000x128xf32, #tpu.memory_space<vmem_shared>> -> memref<80x128xf32, #tpu.memory_space<vmem_shared>>
        tpu.enqueue_dma source(%arg9 : memref<80x128xf32, #tpu.memory_space<vmem>>) target(%dma_start3A_128 : memref<80x128xf32, #tpu.memory_space<vmem_shared>>) target_semaphore(%run_scoped3A : memref<!tpu.dma_semaphore, #tpu.memory_space<semaphore_mem>>)
        %dma_wait3A = arith.constant 0 : i32
        %dma_wait3A_129 = tpu.memref_slice %arg10[%mul3A_125, %dma_wait3A] : memref<10000x128xf32, #tpu.memory_space<vmem_shared>> -> memref<80x128xf32, #tpu.memory_space<vmem_shared>>
        %dma_wait3A_130 = arith.constant 0 : i32
        %dma_wait3A_131 = tpu.memref_slice %arg10[%mul3A_125, %dma_wait3A_130] : memref<10000x128xf32, #tpu.memory_space<vmem_shared>> -> memref<80x128xf32, #tpu.memory_space<vmem_shared>>
        tpu.wait_dma2 semaphore(%run_scoped3A : memref<!tpu.dma_semaphore, #tpu.memory_space<semaphore_mem>>) src(%arg9 : memref<80x128xf32, #tpu.memory_space<vmem>>) dst(%dma_wait3A_131 : memref<80x128xf32, #tpu.memory_space<vmem_shared>>)
        tpu.yield
      }) : () -> ()
    } else {
    }
    %add3A_44 = arith.constant 96 : i32
    %add3A_45 = arith.addi %arg1, %add3A_44 : i32
    %lt3A_46 = arith.constant 125 : i32
    %lt3A_47 = arith.cmpi slt, %add3A_45, %lt3A_46 : i32
    %convert_element_type3A_48 = arith.extui %lt3A_47 : i1 to i32
    %cond3A_49 = arith.constant 0 : i32
    %cond3A_50 = arith.cmpi ne, %convert_element_type3A_48, %cond3A_49 : i32
    scf.if %cond3A_50 {
      %mul3A_124 = arith.constant 80 : i32
      %mul3A_125 = arith.muli %add3A_45, %mul3A_124 : i32
      "tpu.region"() ({
        %run_scoped3A = tpu.sem_alloc : memref<!tpu.dma_semaphore, #tpu.memory_space<semaphore_mem>>
        %dma_start3A = arith.constant 0 : i32
        %dma_start3A_126 = tpu.memref_slice %arg10[%mul3A_125, %dma_start3A] : memref<10000x128xf32, #tpu.memory_space<vmem_shared>> -> memref<80x128xf32, #tpu.memory_space<vmem_shared>>
        %dma_start3A_127 = arith.constant 0 : i32
        %dma_start3A_128 = tpu.memref_slice %arg10[%mul3A_125, %dma_start3A_127] : memref<10000x128xf32, #tpu.memory_space<vmem_shared>> -> memref<80x128xf32, #tpu.memory_space<vmem_shared>>
        tpu.enqueue_dma source(%arg9 : memref<80x128xf32, #tpu.memory_space<vmem>>) target(%dma_start3A_128 : memref<80x128xf32, #tpu.memory_space<vmem_shared>>) target_semaphore(%run_scoped3A : memref<!tpu.dma_semaphore, #tpu.memory_space<semaphore_mem>>)
        %dma_wait3A = arith.constant 0 : i32
        %dma_wait3A_129 = tpu.memref_slice %arg10[%mul3A_125, %dma_wait3A] : memref<10000x128xf32, #tpu.memory_space<vmem_shared>> -> memref<80x128xf32, #tpu.memory_space<vmem_shared>>
        %dma_wait3A_130 = arith.constant 0 : i32
        %dma_wait3A_131 = tpu.memref_slice %arg10[%mul3A_125, %dma_wait3A_130] : memref<10000x128xf32, #tpu.memory_space<vmem_shared>> -> memref<80x128xf32, #tpu.memory_space<vmem_shared>>
        tpu.wait_dma2 semaphore(%run_scoped3A : memref<!tpu.dma_semaphore, #tpu.memory_space<semaphore_mem>>) src(%arg9 : memref<80x128xf32, #tpu.memory_space<vmem>>) dst(%dma_wait3A_131 : memref<80x128xf32, #tpu.memory_space<vmem_shared>>)
        tpu.yield
      }) : () -> ()
    } else {
    }
    %add3A_51 = arith.constant 112 : i32
    %add3A_52 = arith.addi %arg1, %add3A_51 : i32
    %lt3A_53 = arith.constant 125 : i32
    %lt3A_54 = arith.cmpi slt, %add3A_52, %lt3A_53 : i32
    %convert_element_type3A_55 = arith.extui %lt3A_54 : i1 to i32
    %cond3A_56 = arith.constant 0 : i32
    %cond3A_57 = arith.cmpi ne, %convert_element_type3A_55, %cond3A_56 : i32
    scf.if %cond3A_57 {
      %mul3A_124 = arith.constant 80 : i32
      %mul3A_125 = arith.muli %add3A_52, %mul3A_124 : i32
      "tpu.region"() ({
        %run_scoped3A = tpu.sem_alloc : memref<!tpu.dma_semaphore, #tpu.memory_space<semaphore_mem>>
        %dma_start3A = arith.constant 0 : i32
        %dma_start3A_126 = tpu.memref_slice %arg10[%mul3A_125, %dma_start3A] : memref<10000x128xf32, #tpu.memory_space<vmem_shared>> -> memref<80x128xf32, #tpu.memory_space<vmem_shared>>
        %dma_start3A_127 = arith.constant 0 : i32
        %dma_start3A_128 = tpu.memref_slice %arg10[%mul3A_125, %dma_start3A_127] : memref<10000x128xf32, #tpu.memory_space<vmem_shared>> -> memref<80x128xf32, #tpu.memory_space<vmem_shared>>
        tpu.enqueue_dma source(%arg9 : memref<80x128xf32, #tpu.memory_space<vmem>>) target(%dma_start3A_128 : memref<80x128xf32, #tpu.memory_space<vmem_shared>>) target_semaphore(%run_scoped3A : memref<!tpu.dma_semaphore, #tpu.memory_space<semaphore_mem>>)
        %dma_wait3A = arith.constant 0 : i32
        %dma_wait3A_129 = tpu.memref_slice %arg10[%mul3A_125, %dma_wait3A] : memref<10000x128xf32, #tpu.memory_space<vmem_shared>> -> memref<80x128xf32, #tpu.memory_space<vmem_shared>>
        %dma_wait3A_130 = arith.constant 0 : i32
        %dma_wait3A_131 = tpu.memref_slice %arg10[%mul3A_125, %dma_wait3A_130] : memref<10000x128xf32, #tpu.memory_space<vmem_shared>> -> memref<80x128xf32, #tpu.memory_space<vmem_shared>>
        tpu.wait_dma2 semaphore(%run_scoped3A : memref<!tpu.dma_semaphore, #tpu.memory_space<semaphore_mem>>) src(%arg9 : memref<80x128xf32, #tpu.memory_space<vmem>>) dst(%dma_wait3A_131 : memref<80x128xf32, #tpu.memory_space<vmem_shared>>)
        tpu.yield
      }) : () -> ()
    } else {
    }
    %barrier3A = arith.constant 0 : index
    tpu.barrier barrier_id(%barrier3A)
    %iota3A = tpu.iota {dimensions = array<i32: 0>} : vector<16xi32>
    %mul3A = arith.constant 2 : i32
    %mul3A_58 = vector.broadcast %mul3A : i32 to vector<16xi32>
    %mul3A_59 = arith.muli %iota3A, %mul3A_58 : vector<16xi32>
    %scan3A_60 = arith.constant 0 : i32
    %scan3A_61 = arith.constant 0 : i32
    %scan3A_62 = arith.constant 10 : i32
    %scan3A_63 = arith.addi %scan3A_61, %scan3A_62 : i32
    %scan3A_64 = arith.constant 1 : i32
    %scan3A_65 = scf.for %scan3A_124 = %scan3A_61 to %scan3A_63 step %scan3A_64 iter_args(%scan3A_125 = %scan3A_60) -> (i32)  : i32 {
      "tpu.region"() ({
        %run_scoped3A = tpu.sem_alloc : memref<!tpu.dma_semaphore, #tpu.memory_space<semaphore_mem>>
        %dma_start3A = arith.constant 0 : i32
        %dma_start3A_140 = tpu.memref_slice %arg3[%arg1, %scan3A_124, %dma_start3A] : memref<16x10x4000xi32, #tpu.memory_space<hbm>> -> memref<1x1x4000xi32, #tpu.memory_space<hbm>>
        %dma_start3A_141 = tpu.memref_squeeze %dma_start3A_140 : memref<1x1x4000xi32, #tpu.memory_space<hbm>> -> memref<4000xi32, #tpu.memory_space<hbm>>
        %dma_start3A_142 = arith.constant 0 : i32
        %dma_start3A_143 = tpu.memref_slice %arg3[%arg1, %scan3A_124, %dma_start3A_142] : memref<16x10x4000xi32, #tpu.memory_space<hbm>> -> memref<1x1x4000xi32, #tpu.memory_space<hbm>>
        %dma_start3A_144 = tpu.memref_squeeze %dma_start3A_143 : memref<1x1x4000xi32, #tpu.memory_space<hbm>> -> memref<4000xi32, #tpu.memory_space<hbm>>
        tpu.enqueue_dma source(%dma_start3A_144 : memref<4000xi32, #tpu.memory_space<hbm>>) target(%arg5 : memref<4000xi32, #tpu.memory_space<vmem>>) target_semaphore(%run_scoped3A : memref<!tpu.dma_semaphore, #tpu.memory_space<semaphore_mem>>)
        %dma_wait3A = arith.constant 0 : i32
        %dma_wait3A_145 = tpu.memref_slice %arg3[%arg1, %scan3A_124, %dma_wait3A] : memref<16x10x4000xi32, #tpu.memory_space<hbm>> -> memref<1x1x4000xi32, #tpu.memory_space<hbm>>
        %dma_wait3A_146 = tpu.memref_squeeze %dma_wait3A_145 : memref<1x1x4000xi32, #tpu.memory_space<hbm>> -> memref<4000xi32, #tpu.memory_space<hbm>>
        %dma_wait3A_147 = arith.constant 0 : i32
        %dma_wait3A_148 = tpu.memref_slice %arg3[%arg1, %scan3A_124, %dma_wait3A_147] : memref<16x10x4000xi32, #tpu.memory_space<hbm>> -> memref<1x1x4000xi32, #tpu.memory_space<hbm>>
        %dma_wait3A_149 = tpu.memref_squeeze %dma_wait3A_148 : memref<1x1x4000xi32, #tpu.memory_space<hbm>> -> memref<4000xi32, #tpu.memory_space<hbm>>
        tpu.wait_dma2 semaphore(%run_scoped3A : memref<!tpu.dma_semaphore, #tpu.memory_space<semaphore_mem>>) src(%dma_wait3A_149 : memref<4000xi32, #tpu.memory_space<hbm>>) dst(%arg5 : memref<4000xi32, #tpu.memory_space<vmem>>)
        tpu.yield
      }) : () -> ()
      %scan3A_126 = arith.constant 0 : i32
      %scan3A_127 = arith.constant 0 : i32
      %scan3A_128 = arith.constant 25 : i32
      %scan3A_129 = arith.addi %scan3A_127, %scan3A_128 : i32
      %scan3A_130 = arith.constant 1 : i32
      %scan3A_131 = scf.for %scan3A_140 = %scan3A_127 to %scan3A_129 step %scan3A_130 iter_args(%scan3A_141 = %scan3A_126) -> (i32)  : i32 {
        %mul3A_142 = arith.constant 160 : i32
        %mul3A_143 = arith.muli %scan3A_140, %mul3A_142 : i32
        %add3A_144 = arith.constant 0 : i32
        %add3A_145 = arith.addi %mul3A_143, %add3A_144 : i32
        %add3A_146 = vector.broadcast %add3A_145 : i32 to vector<16xi32>
        %add3A_147 = arith.addi %mul3A_59, %add3A_146 : vector<16xi32>
        %gather3A = tpu.vector_load_idx %arg5[%add3A_147] : memref<4000xi32, #tpu.memory_space<vmem>>[vector<16xi32>], vector<16xi32>,
        %swap3A = arith.index_cast %scan3A_140 : i32 to index
        %swap3A_148 = arith.constant 0 : index
        %swap3A_149 = tpu.vector_load %arg6[%swap3A, %swap3A_148] {strides = array<i32>} : memref<25x80xi32, #tpu.memory_space<vmem>>, vector<16xi32>,
        tpu.vector_store %arg6[%swap3A, %swap3A_148], %gather3A {strides = array<i32>} : memref<25x80xi32, #tpu.memory_space<vmem>>, vector<16xi32>,
        %add3A_150 = arith.constant 1 : i32
        %add3A_151 = vector.broadcast %add3A_150 : i32 to vector<16xi32>
        %add3A_152 = arith.addi %add3A_147, %add3A_151 : vector<16xi32>
        %gather3A_153 = tpu.vector_load_idx %arg5[%add3A_152] : memref<4000xi32, #tpu.memory_space<vmem>>[vector<16xi32>], vector<16xi32>,
        %swap3A_154 = arith.index_cast %scan3A_140 : i32 to index
        %swap3A_155 = arith.constant 0 : index
        %swap3A_156 = tpu.vector_load %arg7[%swap3A_154, %swap3A_155] {strides = array<i32>} : memref<25x80xi32, #tpu.memory_space<vmem>>, vector<16xi32>,
        tpu.vector_store %arg7[%swap3A_154, %swap3A_155], %gather3A_153 {strides = array<i32>} : memref<25x80xi32, #tpu.memory_space<vmem>>, vector<16xi32>,
        %mul3A_157 = arith.constant 160 : i32
        %mul3A_158 = arith.muli %scan3A_140, %mul3A_157 : i32
        %add3A_159 = arith.constant 32 : i32
        %add3A_160 = arith.addi %mul3A_158, %add3A_159 : i32
        %add3A_161 = vector.broadcast %add3A_160 : i32 to vector<16xi32>
        %add3A_162 = arith.addi %mul3A_59, %add3A_161 : vector<16xi32>
        %gather3A_163 = tpu.vector_load_idx %arg5[%add3A_162] : memref<4000xi32, #tpu.memory_space<vmem>>[vector<16xi32>], vector<16xi32>,
        %swap3A_164 = arith.index_cast %scan3A_140 : i32 to index
        %swap3A_165 = arith.constant 16 : index
        %swap3A_166 = tpu.vector_load %arg6[%swap3A_164, %swap3A_165] {strides = array<i32>} : memref<25x80xi32, #tpu.memory_space<vmem>>, vector<16xi32>,
        tpu.vector_store %arg6[%swap3A_164, %swap3A_165], %gather3A_163 {strides = array<i32>} : memref<25x80xi32, #tpu.memory_space<vmem>>, vector<16xi32>,
        %add3A_167 = arith.constant 1 : i32
        %add3A_168 = vector.broadcast %add3A_167 : i32 to vector<16xi32>
        %add3A_169 = arith.addi %add3A_162, %add3A_168 : vector<16xi32>
        %gather3A_170 = tpu.vector_load_idx %arg5[%add3A_169] : memref<4000xi32, #tpu.memory_space<vmem>>[vector<16xi32>], vector<16xi32>,
        %swap3A_171 = arith.index_cast %scan3A_140 : i32 to index
        %swap3A_172 = arith.constant 16 : index
        %swap3A_173 = tpu.vector_load %arg7[%swap3A_171, %swap3A_172] {strides = array<i32>} : memref<25x80xi32, #tpu.memory_space<vmem>>, vector<16xi32>,
        tpu.vector_store %arg7[%swap3A_171, %swap3A_172], %gather3A_170 {strides = array<i32>} : memref<25x80xi32, #tpu.memory_space<vmem>>, vector<16xi32>,
        %mul3A_174 = arith.constant 160 : i32
        %mul3A_175 = arith.muli %scan3A_140, %mul3A_174 : i32
        %add3A_176 = arith.constant 64 : i32
        %add3A_177 = arith.addi %mul3A_175, %add3A_176 : i32
        %add3A_178 = vector.broadcast %add3A_177 : i32 to vector<16xi32>
        %add3A_179 = arith.addi %mul3A_59, %add3A_178 : vector<16xi32>
        %gather3A_180 = tpu.vector_load_idx %arg5[%add3A_179] : memref<4000xi32, #tpu.memory_space<vmem>>[vector<16xi32>], vector<16xi32>,
        %swap3A_181 = arith.index_cast %scan3A_140 : i32 to index
        %swap3A_182 = arith.constant 32 : index
        %swap3A_183 = tpu.vector_load %arg6[%swap3A_181, %swap3A_182] {strides = array<i32>} : memref<25x80xi32, #tpu.memory_space<vmem>>, vector<16xi32>,
        tpu.vector_store %arg6[%swap3A_181, %swap3A_182], %gather3A_180 {strides = array<i32>} : memref<25x80xi32, #tpu.memory_space<vmem>>, vector<16xi32>,
        %add3A_184 = arith.constant 1 : i32
        %add3A_185 = vector.broadcast %add3A_184 : i32 to vector<16xi32>
        %add3A_186 = arith.addi %add3A_179, %add3A_185 : vector<16xi32>
        %gather3A_187 = tpu.vector_load_idx %arg5[%add3A_186] : memref<4000xi32, #tpu.memory_space<vmem>>[vector<16xi32>], vector<16xi32>,
        %swap3A_188 = arith.index_cast %scan3A_140 : i32 to index
        %swap3A_189 = arith.constant 32 : index
        %swap3A_190 = tpu.vector_load %arg7[%swap3A_188, %swap3A_189] {strides = array<i32>} : memref<25x80xi32, #tpu.memory_space<vmem>>, vector<16xi32>,
        tpu.vector_store %arg7[%swap3A_188, %swap3A_189], %gather3A_187 {strides = array<i32>} : memref<25x80xi32, #tpu.memory_space<vmem>>, vector<16xi32>,
        %mul3A_191 = arith.constant 160 : i32
        %mul3A_192 = arith.muli %scan3A_140, %mul3A_191 : i32
        %add3A_193 = arith.constant 96 : i32
        %add3A_194 = arith.addi %mul3A_192, %add3A_193 : i32
        %add3A_195 = vector.broadcast %add3A_194 : i32 to vector<16xi32>
        %add3A_196 = arith.addi %mul3A_59, %add3A_195 : vector<16xi32>
        %gather3A_197 = tpu.vector_load_idx %arg5[%add3A_196] : memref<4000xi32, #tpu.memory_space<vmem>>[vector<16xi32>], vector<16xi32>,
        %swap3A_198 = arith.index_cast %scan3A_140 : i32 to index
        %swap3A_199 = arith.constant 48 : index
        %swap3A_200 = tpu.vector_load %arg6[%swap3A_198, %swap3A_199] {strides = array<i32>} : memref<25x80xi32, #tpu.memory_space<vmem>>, vector<16xi32>,
        tpu.vector_store %arg6[%swap3A_198, %swap3A_199], %gather3A_197 {strides = array<i32>} : memref<25x80xi32, #tpu.memory_space<vmem>>, vector<16xi32>,
        %add3A_201 = arith.constant 1 : i32
        %add3A_202 = vector.broadcast %add3A_201 : i32 to vector<16xi32>
        %add3A_203 = arith.addi %add3A_196, %add3A_202 : vector<16xi32>
        %gather3A_204 = tpu.vector_load_idx %arg5[%add3A_203] : memref<4000xi32, #tpu.memory_space<vmem>>[vector<16xi32>], vector<16xi32>,
        %swap3A_205 = arith.index_cast %scan3A_140 : i32 to index
        %swap3A_206 = arith.constant 48 : index
        %swap3A_207 = tpu.vector_load %arg7[%swap3A_205, %swap3A_206] {strides = array<i32>} : memref<25x80xi32, #tpu.memory_space<vmem>>, vector<16xi32>,
        tpu.vector_store %arg7[%swap3A_205, %swap3A_206], %gather3A_204 {strides = array<i32>} : memref<25x80xi32, #tpu.memory_space<vmem>>, vector<16xi32>,
        %mul3A_208 = arith.constant 160 : i32
        %mul3A_209 = arith.muli %scan3A_140, %mul3A_208 : i32
        %add3A_210 = arith.constant 128 : i32
        %add3A_211 = arith.addi %mul3A_209, %add3A_210 : i32
        %add3A_212 = vector.broadcast %add3A_211 : i32 to vector<16xi32>
        %add3A_213 = arith.addi %mul3A_59, %add3A_212 : vector<16xi32>
        %gather3A_214 = tpu.vector_load_idx %arg5[%add3A_213] : memref<4000xi32, #tpu.memory_space<vmem>>[vector<16xi32>], vector<16xi32>,
        %swap3A_215 = arith.index_cast %scan3A_140 : i32 to index
        %swap3A_216 = arith.constant 64 : index
        %swap3A_217 = tpu.vector_load %arg6[%swap3A_215, %swap3A_216] {strides = array<i32>} : memref<25x80xi32, #tpu.memory_space<vmem>>, vector<16xi32>,
        tpu.vector_store %arg6[%swap3A_215, %swap3A_216], %gather3A_214 {strides = array<i32>} : memref<25x80xi32, #tpu.memory_space<vmem>>, vector<16xi32>,
        %add3A_218 = arith.constant 1 : i32
        %add3A_219 = vector.broadcast %add3A_218 : i32 to vector<16xi32>
        %add3A_220 = arith.addi %add3A_213, %add3A_219 : vector<16xi32>
        %gather3A_221 = tpu.vector_load_idx %arg5[%add3A_220] : memref<4000xi32, #tpu.memory_space<vmem>>[vector<16xi32>], vector<16xi32>,
        %swap3A_222 = arith.index_cast %scan3A_140 : i32 to index
        %swap3A_223 = arith.constant 64 : index
        %swap3A_224 = tpu.vector_load %arg7[%swap3A_222, %swap3A_223] {strides = array<i32>} : memref<25x80xi32, #tpu.memory_space<vmem>>, vector<16xi32>,
        tpu.vector_store %arg7[%swap3A_222, %swap3A_223], %gather3A_221 {strides = array<i32>} : memref<25x80xi32, #tpu.memory_space<vmem>>, vector<16xi32>,
        %scan3A_225 = arith.constant 0 : i32
        scf.yield %scan3A_225 : i32
      }
      %scan3A_132 = arith.constant 25 : i32
      %scan3A_133 = arith.constant 0 : i32
      %scan3A_134 = arith.constant 0 : i32
      %scan3A_135 = arith.constant 25 : i32
      %scan3A_136 = arith.addi %scan3A_134, %scan3A_135 : i32
      %scan3A_137 = arith.constant 1 : i32
      %scan3A_138 = scf.for %scan3A_140 = %scan3A_134 to %scan3A_136 step %scan3A_137 iter_args(%scan3A_141 = %scan3A_133) -> (i32)  : i32 {
        %mul3A_142 = arith.constant 20000 : i32
        %mul3A_143 = arith.muli %arg1, %mul3A_142 : i32
        %mul3A_144 = arith.constant 25 : i32
        %mul3A_145 = arith.muli %scan3A_124, %mul3A_144 : i32
        %add3A_146 = arith.addi %mul3A_145, %scan3A_140 : i32
        %mul3A_147 = arith.constant 80 : i32
        %mul3A_148 = arith.muli %add3A_146, %mul3A_147 : i32
        %add3A_149 = arith.addi %mul3A_143, %mul3A_148 : i32
        "tpu.region"() ({
          %run_scoped3A = tpu.sem_alloc : memref<!tpu.dma_semaphore, #tpu.memory_space<semaphore_mem>>
          %dma_start3A = arith.constant 0 : i32
          %dma_start3A_151 = tpu.memref_slice %arg2[%arg0, %add3A_149, %dma_start3A] : memref<2x320000x128xf32, #tpu.memory_space<hbm>> -> memref<1x80x128xf32, #tpu.memory_space<hbm>>
          %dma_start3A_152 = tpu.memref_squeeze %dma_start3A_151 : memref<1x80x128xf32, #tpu.memory_space<hbm>> -> memref<80x128xf32, #tpu.memory_space<hbm>>
          %dma_start3A_153 = arith.constant 0 : i32
          %dma_start3A_154 = tpu.memref_slice %arg2[%arg0, %add3A_149, %dma_start3A_153] : memref<2x320000x128xf32, #tpu.memory_space<hbm>> -> memref<1x80x128xf32, #tpu.memory_space<hbm>>
          %dma_start3A_155 = tpu.memref_squeeze %dma_start3A_154 : memref<1x80x128xf32, #tpu.memory_space<hbm>> -> memref<80x128xf32, #tpu.memory_space<hbm>>
          tpu.enqueue_dma source(%dma_start3A_155 : memref<80x128xf32, #tpu.memory_space<hbm>>) target(%arg8 : memref<80x128xf32, #tpu.memory_space<vmem>>) target_semaphore(%run_scoped3A : memref<!tpu.dma_semaphore, #tpu.memory_space<semaphore_mem>>)
          %dma_wait3A = arith.constant 0 : i32
          %dma_wait3A_156 = tpu.memref_slice %arg2[%arg0, %add3A_149, %dma_wait3A] : memref<2x320000x128xf32, #tpu.memory_space<hbm>> -> memref<1x80x128xf32, #tpu.memory_space<hbm>>
          %dma_wait3A_157 = tpu.memref_squeeze %dma_wait3A_156 : memref<1x80x128xf32, #tpu.memory_space<hbm>> -> memref<80x128xf32, #tpu.memory_space<hbm>>
          %dma_wait3A_158 = arith.constant 0 : i32
          %dma_wait3A_159 = tpu.memref_slice %arg2[%arg0, %add3A_149, %dma_wait3A_158] : memref<2x320000x128xf32, #tpu.memory_space<hbm>> -> memref<1x80x128xf32, #tpu.memory_space<hbm>>
          %dma_wait3A_160 = tpu.memref_squeeze %dma_wait3A_159 : memref<1x80x128xf32, #tpu.memory_space<hbm>> -> memref<80x128xf32, #tpu.memory_space<hbm>>
          tpu.wait_dma2 semaphore(%run_scoped3A : memref<!tpu.dma_semaphore, #tpu.memory_space<semaphore_mem>>) src(%dma_wait3A_160 : memref<80x128xf32, #tpu.memory_space<hbm>>) dst(%arg8 : memref<80x128xf32, #tpu.memory_space<vmem>>)
          tpu.yield
        }) : () -> ()
        "tpu.region"() ({
          %run_scoped3A = tpu.sem_alloc : memref<!tpu.dma_semaphore, #tpu.memory_space<semaphore_mem>>
          %dma_start3A = arith.constant 0 : i32
          %dma_start3A_151 = tpu.memref_slice %arg6[%scan3A_140, %dma_start3A] : memref<25x80xi32, #tpu.memory_space<vmem>> -> memref<1x80xi32, #tpu.memory_space<vmem>>
          %dma_start3A_152 = tpu.memref_squeeze %dma_start3A_151 : memref<1x80xi32, #tpu.memory_space<vmem>> -> memref<80xi32, #tpu.memory_space<vmem>>
          %dma_start3A_153 = arith.constant 0 : i32
          %dma_start3A_154 = arith.constant 0 : i32
          %dma_start3A_155 = tpu.memref_slice %arg10[%dma_start3A_153, %dma_start3A_154] : memref<10000x128xf32, #tpu.memory_space<vmem_shared>> -> memref<10000x128xf32, #tpu.memory_space<vmem_shared>>
          tpu.enqueue_indirect_dma source(%arg8 : memref<80x128xf32, #tpu.memory_space<vmem>>) target(%dma_start3A_155 : memref<10000x128xf32, #tpu.memory_space<vmem_shared>>) offsets(%dma_start3A_152 : memref<80xi32, #tpu.memory_space<vmem>>) semaphore(%run_scoped3A : memref<!tpu.dma_semaphore, #tpu.memory_space<semaphore_mem>>) {add = true}
          %dma_wait3A = arith.constant 0 : i32
          %dma_wait3A_156 = tpu.memref_slice %arg6[%scan3A_140, %dma_wait3A] : memref<25x80xi32, #tpu.memory_space<vmem>> -> memref<1x80xi32, #tpu.memory_space<vmem>>
          %dma_wait3A_157 = tpu.memref_squeeze %dma_wait3A_156 : memref<1x80xi32, #tpu.memory_space<vmem>> -> memref<80xi32, #tpu.memory_space<vmem>>
          %dma_wait3A_158 = arith.constant 0 : i32
          %dma_wait3A_159 = arith.constant 0 : i32
          %dma_wait3A_160 = tpu.memref_slice %arg10[%dma_wait3A_158, %dma_wait3A_159] : memref<10000x128xf32, #tpu.memory_space<vmem_shared>> -> memref<10000x128xf32, #tpu.memory_space<vmem_shared>>
          tpu.wait_indirect_dma semaphore(%run_scoped3A : memref<!tpu.dma_semaphore, #tpu.memory_space<semaphore_mem>>) src(%arg8 : memref<80x128xf32, #tpu.memory_space<vmem>>) dst(%dma_wait3A_160 : memref<10000x128xf32, #tpu.memory_space<vmem_shared>>)
          tpu.yield
        }) : () -> ()
        "tpu.region"() ({
          %run_scoped3A = tpu.sem_alloc : memref<!tpu.dma_semaphore, #tpu.memory_space<semaphore_mem>>
          %dma_start3A = arith.constant 0 : i32
          %dma_start3A_151 = tpu.memref_slice %arg7[%scan3A_140, %dma_start3A] : memref<25x80xi32, #tpu.memory_space<vmem>> -> memref<1x80xi32, #tpu.memory_space<vmem>>
          %dma_start3A_152 = tpu.memref_squeeze %dma_start3A_151 : memref<1x80xi32, #tpu.memory_space<vmem>> -> memref<80xi32, #tpu.memory_space<vmem>>
          %dma_start3A_153 = arith.constant 0 : i32
          %dma_start3A_154 = arith.constant 0 : i32
          %dma_start3A_155 = tpu.memref_slice %arg10[%dma_start3A_153, %dma_start3A_154] : memref<10000x128xf32, #tpu.memory_space<vmem_shared>> -> memref<10000x128xf32, #tpu.memory_space<vmem_shared>>
          tpu.enqueue_indirect_dma source(%arg8 : memref<80x128xf32, #tpu.memory_space<vmem>>) target(%dma_start3A_155 : memref<10000x128xf32, #tpu.memory_space<vmem_shared>>) offsets(%dma_start3A_152 : memref<80xi32, #tpu.memory_space<vmem>>) semaphore(%run_scoped3A : memref<!tpu.dma_semaphore, #tpu.memory_space<semaphore_mem>>) {add = true}
          %dma_wait3A = arith.constant 0 : i32
          %dma_wait3A_156 = tpu.memref_slice %arg7[%scan3A_140, %dma_wait3A] : memref<25x80xi32, #tpu.memory_space<vmem>> -> memref<1x80xi32, #tpu.memory_space<vmem>>
          %dma_wait3A_157 = tpu.memref_squeeze %dma_wait3A_156 : memref<1x80xi32, #tpu.memory_space<vmem>> -> memref<80xi32, #tpu.memory_space<vmem>>
          %dma_wait3A_158 = arith.constant 0 : i32
          %dma_wait3A_159 = arith.constant 0 : i32
          %dma_wait3A_160 = tpu.memref_slice %arg10[%dma_wait3A_158, %dma_wait3A_159] : memref<10000x128xf32, #tpu.memory_space<vmem_shared>> -> memref<10000x128xf32, #tpu.memory_space<vmem_shared>>
          tpu.wait_indirect_dma semaphore(%run_scoped3A : memref<!tpu.dma_semaphore, #tpu.memory_space<semaphore_mem>>) src(%arg8 : memref<80x128xf32, #tpu.memory_space<vmem>>) dst(%dma_wait3A_160 : memref<10000x128xf32, #tpu.memory_space<vmem_shared>>)
          tpu.yield
        }) : () -> ()
        %scan3A_150 = arith.constant 0 : i32
        scf.yield %scan3A_150 : i32
      }
      %scan3A_139 = arith.constant 25 : i32
      scf.yield %scan3A_138 : i32
    }
    %scan3A_66 = arith.constant 10 : i32
    %barrier3A_67 = arith.constant 0 : index
    tpu.barrier barrier_id(%barrier3A_67)
    %add3A_68 = arith.constant 0 : i32
    %add3A_69 = arith.addi %arg1, %add3A_68 : i32
    %lt3A_70 = arith.constant 125 : i32
    %lt3A_71 = arith.cmpi slt, %add3A_69, %lt3A_70 : i32
    %convert_element_type3A_72 = arith.extui %lt3A_71 : i1 to i32
    %cond3A_73 = arith.constant 0 : i32
    %cond3A_74 = arith.cmpi ne, %convert_element_type3A_72, %cond3A_73 : i32
    scf.if %cond3A_74 {
      %mul3A_124 = arith.constant 80 : i32
      %mul3A_125 = arith.muli %add3A_69, %mul3A_124 : i32
      "tpu.region"() ({
        %run_scoped3A = tpu.sem_alloc : memref<!tpu.dma_semaphore, #tpu.memory_space<semaphore_mem>>
        %dma_start3A = arith.constant 0 : i32
        %dma_start3A_128 = tpu.memref_slice %arg10[%mul3A_125, %dma_start3A] : memref<10000x128xf32, #tpu.memory_space<vmem_shared>> -> memref<80x128xf32, #tpu.memory_space<vmem_shared>>
        %dma_start3A_129 = arith.constant 0 : i32
        %dma_start3A_130 = tpu.memref_slice %arg10[%mul3A_125, %dma_start3A_129] : memref<10000x128xf32, #tpu.memory_space<vmem_shared>> -> memref<80x128xf32, #tpu.memory_space<vmem_shared>>
        tpu.enqueue_dma source(%dma_start3A_130 : memref<80x128xf32, #tpu.memory_space<vmem_shared>>) target(%arg9 : memref<80x128xf32, #tpu.memory_space<vmem>>) target_semaphore(%run_scoped3A : memref<!tpu.dma_semaphore, #tpu.memory_space<semaphore_mem>>)
        %dma_wait3A = arith.constant 0 : i32
        %dma_wait3A_131 = tpu.memref_slice %arg10[%mul3A_125, %dma_wait3A] : memref<10000x128xf32, #tpu.memory_space<vmem_shared>> -> memref<80x128xf32, #tpu.memory_space<vmem_shared>>
        %dma_wait3A_132 = arith.constant 0 : i32
        %dma_wait3A_133 = tpu.memref_slice %arg10[%mul3A_125, %dma_wait3A_132] : memref<10000x128xf32, #tpu.memory_space<vmem_shared>> -> memref<80x128xf32, #tpu.memory_space<vmem_shared>>
        tpu.wait_dma2 semaphore(%run_scoped3A : memref<!tpu.dma_semaphore, #tpu.memory_space<semaphore_mem>>) src(%dma_wait3A_133 : memref<80x128xf32, #tpu.memory_space<vmem_shared>>) dst(%arg9 : memref<80x128xf32, #tpu.memory_space<vmem>>)
        tpu.yield
      }) : () -> ()
      %mul3A_126 = arith.constant 80 : i32
      %mul3A_127 = arith.muli %add3A_69, %mul3A_126 : i32
      "tpu.region"() ({
        %run_scoped3A = tpu.sem_alloc : memref<!tpu.dma_semaphore, #tpu.memory_space<semaphore_mem>>
        %dma_start3A = arith.constant 0 : i32
        %dma_start3A_128 = tpu.memref_slice %arg4[%arg0, %mul3A_127, %dma_start3A] : memref<2x10000x128xf32, #tpu.memory_space<hbm>> -> memref<1x80x128xf32, #tpu.memory_space<hbm>>
        %dma_start3A_129 = tpu.memref_squeeze %dma_start3A_128 : memref<1x80x128xf32, #tpu.memory_space<hbm>> -> memref<80x128xf32, #tpu.memory_space<hbm>>
        %dma_start3A_130 = arith.constant 0 : i32
        %dma_start3A_131 = tpu.memref_slice %arg4[%arg0, %mul3A_127, %dma_start3A_130] : memref<2x10000x128xf32, #tpu.memory_space<hbm>> -> memref<1x80x128xf32, #tpu.memory_space<hbm>>
        %dma_start3A_132 = tpu.memref_squeeze %dma_start3A_131 : memref<1x80x128xf32, #tpu.memory_space<hbm>> -> memref<80x128xf32, #tpu.memory_space<hbm>>
        tpu.enqueue_dma source(%arg9 : memref<80x128xf32, #tpu.memory_space<vmem>>) target(%dma_start3A_132 : memref<80x128xf32, #tpu.memory_space<hbm>>) target_semaphore(%run_scoped3A : memref<!tpu.dma_semaphore, #tpu.memory_space<semaphore_mem>>)
        %dma_wait3A = arith.constant 0 : i32
        %dma_wait3A_133 = tpu.memref_slice %arg4[%arg0, %mul3A_127, %dma_wait3A] : memref<2x10000x128xf32, #tpu.memory_space<hbm>> -> memref<1x80x128xf32, #tpu.memory_space<hbm>>
        %dma_wait3A_134 = tpu.memref_squeeze %dma_wait3A_133 : memref<1x80x128xf32, #tpu.memory_space<hbm>> -> memref<80x128xf32, #tpu.memory_space<hbm>>
        %dma_wait3A_135 = arith.constant 0 : i32
        %dma_wait3A_136 = tpu.memref_slice %arg4[%arg0, %mul3A_127, %dma_wait3A_135] : memref<2x10000x128xf32, #tpu.memory_space<hbm>> -> memref<1x80x128xf32, #tpu.memory_space<hbm>>
        %dma_wait3A_137 = tpu.memref_squeeze %dma_wait3A_136 : memref<1x80x128xf32, #tpu.memory_space<hbm>> -> memref<80x128xf32, #tpu.memory_space<hbm>>
        tpu.wait_dma2 semaphore(%run_scoped3A : memref<!tpu.dma_semaphore, #tpu.memory_space<semaphore_mem>>) src(%arg9 : memref<80x128xf32, #tpu.memory_space<vmem>>) dst(%dma_wait3A_137 : memref<80x128xf32, #tpu.memory_space<hbm>>)
        tpu.yield
      }) : () -> ()
    } else {
    }
    %add3A_75 = arith.constant 16 : i32
    %add3A_76 = arith.addi %arg1, %add3A_75 : i32
    %lt3A_77 = arith.constant 125 : i32
    %lt3A_78 = arith.cmpi slt, %add3A_76, %lt3A_77 : i32
    %convert_element_type3A_79 = arith.extui %lt3A_78 : i1 to i32
    %cond3A_80 = arith.constant 0 : i32
    %cond3A_81 = arith.cmpi ne, %convert_element_type3A_79, %cond3A_80 : i32
    scf.if %cond3A_81 {
      %mul3A_124 = arith.constant 80 : i32
      %mul3A_125 = arith.muli %add3A_76, %mul3A_124 : i32
      "tpu.region"() ({
        %run_scoped3A = tpu.sem_alloc : memref<!tpu.dma_semaphore, #tpu.memory_space<semaphore_mem>>
        %dma_start3A = arith.constant 0 : i32
        %dma_start3A_128 = tpu.memref_slice %arg10[%mul3A_125, %dma_start3A] : memref<10000x128xf32, #tpu.memory_space<vmem_shared>> -> memref<80x128xf32, #tpu.memory_space<vmem_shared>>
        %dma_start3A_129 = arith.constant 0 : i32
        %dma_start3A_130 = tpu.memref_slice %arg10[%mul3A_125, %dma_start3A_129] : memref<10000x128xf32, #tpu.memory_space<vmem_shared>> -> memref<80x128xf32, #tpu.memory_space<vmem_shared>>
        tpu.enqueue_dma source(%dma_start3A_130 : memref<80x128xf32, #tpu.memory_space<vmem_shared>>) target(%arg9 : memref<80x128xf32, #tpu.memory_space<vmem>>) target_semaphore(%run_scoped3A : memref<!tpu.dma_semaphore, #tpu.memory_space<semaphore_mem>>)
        %dma_wait3A = arith.constant 0 : i32
        %dma_wait3A_131 = tpu.memref_slice %arg10[%mul3A_125, %dma_wait3A] : memref<10000x128xf32, #tpu.memory_space<vmem_shared>> -> memref<80x128xf32, #tpu.memory_space<vmem_shared>>
        %dma_wait3A_132 = arith.constant 0 : i32
        %dma_wait3A_133 = tpu.memref_slice %arg10[%mul3A_125, %dma_wait3A_132] : memref<10000x128xf32, #tpu.memory_space<vmem_shared>> -> memref<80x128xf32, #tpu.memory_space<vmem_shared>>
        tpu.wait_dma2 semaphore(%run_scoped3A : memref<!tpu.dma_semaphore, #tpu.memory_space<semaphore_mem>>) src(%dma_wait3A_133 : memref<80x128xf32, #tpu.memory_space<vmem_shared>>) dst(%arg9 : memref<80x128xf32, #tpu.memory_space<vmem>>)
        tpu.yield
      }) : () -> ()
      %mul3A_126 = arith.constant 80 : i32
      %mul3A_127 = arith.muli %add3A_76, %mul3A_126 : i32
      "tpu.region"() ({
        %run_scoped3A = tpu.sem_alloc : memref<!tpu.dma_semaphore, #tpu.memory_space<semaphore_mem>>
        %dma_start3A = arith.constant 0 : i32
        %dma_start3A_128 = tpu.memref_slice %arg4[%arg0, %mul3A_127, %dma_start3A] : memref<2x10000x128xf32, #tpu.memory_space<hbm>> -> memref<1x80x128xf32, #tpu.memory_space<hbm>>
        %dma_start3A_129 = tpu.memref_squeeze %dma_start3A_128 : memref<1x80x128xf32, #tpu.memory_space<hbm>> -> memref<80x128xf32, #tpu.memory_space<hbm>>
        %dma_start3A_130 = arith.constant 0 : i32
        %dma_start3A_131 = tpu.memref_slice %arg4[%arg0, %mul3A_127, %dma_start3A_130] : memref<2x10000x128xf32, #tpu.memory_space<hbm>> -> memref<1x80x128xf32, #tpu.memory_space<hbm>>
        %dma_start3A_132 = tpu.memref_squeeze %dma_start3A_131 : memref<1x80x128xf32, #tpu.memory_space<hbm>> -> memref<80x128xf32, #tpu.memory_space<hbm>>
        tpu.enqueue_dma source(%arg9 : memref<80x128xf32, #tpu.memory_space<vmem>>) target(%dma_start3A_132 : memref<80x128xf32, #tpu.memory_space<hbm>>) target_semaphore(%run_scoped3A : memref<!tpu.dma_semaphore, #tpu.memory_space<semaphore_mem>>)
        %dma_wait3A = arith.constant 0 : i32
        %dma_wait3A_133 = tpu.memref_slice %arg4[%arg0, %mul3A_127, %dma_wait3A] : memref<2x10000x128xf32, #tpu.memory_space<hbm>> -> memref<1x80x128xf32, #tpu.memory_space<hbm>>
        %dma_wait3A_134 = tpu.memref_squeeze %dma_wait3A_133 : memref<1x80x128xf32, #tpu.memory_space<hbm>> -> memref<80x128xf32, #tpu.memory_space<hbm>>
        %dma_wait3A_135 = arith.constant 0 : i32
        %dma_wait3A_136 = tpu.memref_slice %arg4[%arg0, %mul3A_127, %dma_wait3A_135] : memref<2x10000x128xf32, #tpu.memory_space<hbm>> -> memref<1x80x128xf32, #tpu.memory_space<hbm>>
        %dma_wait3A_137 = tpu.memref_squeeze %dma_wait3A_136 : memref<1x80x128xf32, #tpu.memory_space<hbm>> -> memref<80x128xf32, #tpu.memory_space<hbm>>
        tpu.wait_dma2 semaphore(%run_scoped3A : memref<!tpu.dma_semaphore, #tpu.memory_space<semaphore_mem>>) src(%arg9 : memref<80x128xf32, #tpu.memory_space<vmem>>) dst(%dma_wait3A_137 : memref<80x128xf32, #tpu.memory_space<hbm>>)
        tpu.yield
      }) : () -> ()
    } else {
    }
    %add3A_82 = arith.constant 32 : i32
    %add3A_83 = arith.addi %arg1, %add3A_82 : i32
    %lt3A_84 = arith.constant 125 : i32
    %lt3A_85 = arith.cmpi slt, %add3A_83, %lt3A_84 : i32
    %convert_element_type3A_86 = arith.extui %lt3A_85 : i1 to i32
    %cond3A_87 = arith.constant 0 : i32
    %cond3A_88 = arith.cmpi ne, %convert_element_type3A_86, %cond3A_87 : i32
    scf.if %cond3A_88 {
      %mul3A_124 = arith.constant 80 : i32
      %mul3A_125 = arith.muli %add3A_83, %mul3A_124 : i32
      "tpu.region"() ({
        %run_scoped3A = tpu.sem_alloc : memref<!tpu.dma_semaphore, #tpu.memory_space<semaphore_mem>>
        %dma_start3A = arith.constant 0 : i32
        %dma_start3A_128 = tpu.memref_slice %arg10[%mul3A_125, %dma_start3A] : memref<10000x128xf32, #tpu.memory_space<vmem_shared>> -> memref<80x128xf32, #tpu.memory_space<vmem_shared>>
        %dma_start3A_129 = arith.constant 0 : i32
        %dma_start3A_130 = tpu.memref_slice %arg10[%mul3A_125, %dma_start3A_129] : memref<10000x128xf32, #tpu.memory_space<vmem_shared>> -> memref<80x128xf32, #tpu.memory_space<vmem_shared>>
        tpu.enqueue_dma source(%dma_start3A_130 : memref<80x128xf32, #tpu.memory_space<vmem_shared>>) target(%arg9 : memref<80x128xf32, #tpu.memory_space<vmem>>) target_semaphore(%run_scoped3A : memref<!tpu.dma_semaphore, #tpu.memory_space<semaphore_mem>>)
        %dma_wait3A = arith.constant 0 : i32
        %dma_wait3A_131 = tpu.memref_slice %arg10[%mul3A_125, %dma_wait3A] : memref<10000x128xf32, #tpu.memory_space<vmem_shared>> -> memref<80x128xf32, #tpu.memory_space<vmem_shared>>
        %dma_wait3A_132 = arith.constant 0 : i32
        %dma_wait3A_133 = tpu.memref_slice %arg10[%mul3A_125, %dma_wait3A_132] : memref<10000x128xf32, #tpu.memory_space<vmem_shared>> -> memref<80x128xf32, #tpu.memory_space<vmem_shared>>
        tpu.wait_dma2 semaphore(%run_scoped3A : memref<!tpu.dma_semaphore, #tpu.memory_space<semaphore_mem>>) src(%dma_wait3A_133 : memref<80x128xf32, #tpu.memory_space<vmem_shared>>) dst(%arg9 : memref<80x128xf32, #tpu.memory_space<vmem>>)
        tpu.yield
      }) : () -> ()
      %mul3A_126 = arith.constant 80 : i32
      %mul3A_127 = arith.muli %add3A_83, %mul3A_126 : i32
      "tpu.region"() ({
        %run_scoped3A = tpu.sem_alloc : memref<!tpu.dma_semaphore, #tpu.memory_space<semaphore_mem>>
        %dma_start3A = arith.constant 0 : i32
        %dma_start3A_128 = tpu.memref_slice %arg4[%arg0, %mul3A_127, %dma_start3A] : memref<2x10000x128xf32, #tpu.memory_space<hbm>> -> memref<1x80x128xf32, #tpu.memory_space<hbm>>
        %dma_start3A_129 = tpu.memref_squeeze %dma_start3A_128 : memref<1x80x128xf32, #tpu.memory_space<hbm>> -> memref<80x128xf32, #tpu.memory_space<hbm>>
        %dma_start3A_130 = arith.constant 0 : i32
        %dma_start3A_131 = tpu.memref_slice %arg4[%arg0, %mul3A_127, %dma_start3A_130] : memref<2x10000x128xf32, #tpu.memory_space<hbm>> -> memref<1x80x128xf32, #tpu.memory_space<hbm>>
        %dma_start3A_132 = tpu.memref_squeeze %dma_start3A_131 : memref<1x80x128xf32, #tpu.memory_space<hbm>> -> memref<80x128xf32, #tpu.memory_space<hbm>>
        tpu.enqueue_dma source(%arg9 : memref<80x128xf32, #tpu.memory_space<vmem>>) target(%dma_start3A_132 : memref<80x128xf32, #tpu.memory_space<hbm>>) target_semaphore(%run_scoped3A : memref<!tpu.dma_semaphore, #tpu.memory_space<semaphore_mem>>)
        %dma_wait3A = arith.constant 0 : i32
        %dma_wait3A_133 = tpu.memref_slice %arg4[%arg0, %mul3A_127, %dma_wait3A] : memref<2x10000x128xf32, #tpu.memory_space<hbm>> -> memref<1x80x128xf32, #tpu.memory_space<hbm>>
        %dma_wait3A_134 = tpu.memref_squeeze %dma_wait3A_133 : memref<1x80x128xf32, #tpu.memory_space<hbm>> -> memref<80x128xf32, #tpu.memory_space<hbm>>
        %dma_wait3A_135 = arith.constant 0 : i32
        %dma_wait3A_136 = tpu.memref_slice %arg4[%arg0, %mul3A_127, %dma_wait3A_135] : memref<2x10000x128xf32, #tpu.memory_space<hbm>> -> memref<1x80x128xf32, #tpu.memory_space<hbm>>
        %dma_wait3A_137 = tpu.memref_squeeze %dma_wait3A_136 : memref<1x80x128xf32, #tpu.memory_space<hbm>> -> memref<80x128xf32, #tpu.memory_space<hbm>>
        tpu.wait_dma2 semaphore(%run_scoped3A : memref<!tpu.dma_semaphore, #tpu.memory_space<semaphore_mem>>) src(%arg9 : memref<80x128xf32, #tpu.memory_space<vmem>>) dst(%dma_wait3A_137 : memref<80x128xf32, #tpu.memory_space<hbm>>)
        tpu.yield
      }) : () -> ()
    } else {
    }
    %add3A_89 = arith.constant 48 : i32
    %add3A_90 = arith.addi %arg1, %add3A_89 : i32
    %lt3A_91 = arith.constant 125 : i32
    %lt3A_92 = arith.cmpi slt, %add3A_90, %lt3A_91 : i32
    %convert_element_type3A_93 = arith.extui %lt3A_92 : i1 to i32
    %cond3A_94 = arith.constant 0 : i32
    %cond3A_95 = arith.cmpi ne, %convert_element_type3A_93, %cond3A_94 : i32
    scf.if %cond3A_95 {
      %mul3A_124 = arith.constant 80 : i32
      %mul3A_125 = arith.muli %add3A_90, %mul3A_124 : i32
      "tpu.region"() ({
        %run_scoped3A = tpu.sem_alloc : memref<!tpu.dma_semaphore, #tpu.memory_space<semaphore_mem>>
        %dma_start3A = arith.constant 0 : i32
        %dma_start3A_128 = tpu.memref_slice %arg10[%mul3A_125, %dma_start3A] : memref<10000x128xf32, #tpu.memory_space<vmem_shared>> -> memref<80x128xf32, #tpu.memory_space<vmem_shared>>
        %dma_start3A_129 = arith.constant 0 : i32
        %dma_start3A_130 = tpu.memref_slice %arg10[%mul3A_125, %dma_start3A_129] : memref<10000x128xf32, #tpu.memory_space<vmem_shared>> -> memref<80x128xf32, #tpu.memory_space<vmem_shared>>
        tpu.enqueue_dma source(%dma_start3A_130 : memref<80x128xf32, #tpu.memory_space<vmem_shared>>) target(%arg9 : memref<80x128xf32, #tpu.memory_space<vmem>>) target_semaphore(%run_scoped3A : memref<!tpu.dma_semaphore, #tpu.memory_space<semaphore_mem>>)
        %dma_wait3A = arith.constant 0 : i32
        %dma_wait3A_131 = tpu.memref_slice %arg10[%mul3A_125, %dma_wait3A] : memref<10000x128xf32, #tpu.memory_space<vmem_shared>> -> memref<80x128xf32, #tpu.memory_space<vmem_shared>>
        %dma_wait3A_132 = arith.constant 0 : i32
        %dma_wait3A_133 = tpu.memref_slice %arg10[%mul3A_125, %dma_wait3A_132] : memref<10000x128xf32, #tpu.memory_space<vmem_shared>> -> memref<80x128xf32, #tpu.memory_space<vmem_shared>>
        tpu.wait_dma2 semaphore(%run_scoped3A : memref<!tpu.dma_semaphore, #tpu.memory_space<semaphore_mem>>) src(%dma_wait3A_133 : memref<80x128xf32, #tpu.memory_space<vmem_shared>>) dst(%arg9 : memref<80x128xf32, #tpu.memory_space<vmem>>)
        tpu.yield
      }) : () -> ()
      %mul3A_126 = arith.constant 80 : i32
      %mul3A_127 = arith.muli %add3A_90, %mul3A_126 : i32
      "tpu.region"() ({
        %run_scoped3A = tpu.sem_alloc : memref<!tpu.dma_semaphore, #tpu.memory_space<semaphore_mem>>
        %dma_start3A = arith.constant 0 : i32
        %dma_start3A_128 = tpu.memref_slice %arg4[%arg0, %mul3A_127, %dma_start3A] : memref<2x10000x128xf32, #tpu.memory_space<hbm>> -> memref<1x80x128xf32, #tpu.memory_space<hbm>>
        %dma_start3A_129 = tpu.memref_squeeze %dma_start3A_128 : memref<1x80x128xf32, #tpu.memory_space<hbm>> -> memref<80x128xf32, #tpu.memory_space<hbm>>
        %dma_start3A_130 = arith.constant 0 : i32
        %dma_start3A_131 = tpu.memref_slice %arg4[%arg0, %mul3A_127, %dma_start3A_130] : memref<2x10000x128xf32, #tpu.memory_space<hbm>> -> memref<1x80x128xf32, #tpu.memory_space<hbm>>
        %dma_start3A_132 = tpu.memref_squeeze %dma_start3A_131 : memref<1x80x128xf32, #tpu.memory_space<hbm>> -> memref<80x128xf32, #tpu.memory_space<hbm>>
        tpu.enqueue_dma source(%arg9 : memref<80x128xf32, #tpu.memory_space<vmem>>) target(%dma_start3A_132 : memref<80x128xf32, #tpu.memory_space<hbm>>) target_semaphore(%run_scoped3A : memref<!tpu.dma_semaphore, #tpu.memory_space<semaphore_mem>>)
        %dma_wait3A = arith.constant 0 : i32
        %dma_wait3A_133 = tpu.memref_slice %arg4[%arg0, %mul3A_127, %dma_wait3A] : memref<2x10000x128xf32, #tpu.memory_space<hbm>> -> memref<1x80x128xf32, #tpu.memory_space<hbm>>
        %dma_wait3A_134 = tpu.memref_squeeze %dma_wait3A_133 : memref<1x80x128xf32, #tpu.memory_space<hbm>> -> memref<80x128xf32, #tpu.memory_space<hbm>>
        %dma_wait3A_135 = arith.constant 0 : i32
        %dma_wait3A_136 = tpu.memref_slice %arg4[%arg0, %mul3A_127, %dma_wait3A_135] : memref<2x10000x128xf32, #tpu.memory_space<hbm>> -> memref<1x80x128xf32, #tpu.memory_space<hbm>>
        %dma_wait3A_137 = tpu.memref_squeeze %dma_wait3A_136 : memref<1x80x128xf32, #tpu.memory_space<hbm>> -> memref<80x128xf32, #tpu.memory_space<hbm>>
        tpu.wait_dma2 semaphore(%run_scoped3A : memref<!tpu.dma_semaphore, #tpu.memory_space<semaphore_mem>>) src(%arg9 : memref<80x128xf32, #tpu.memory_space<vmem>>) dst(%dma_wait3A_137 : memref<80x128xf32, #tpu.memory_space<hbm>>)
        tpu.yield
      }) : () -> ()
    } else {
    }
    %add3A_96 = arith.constant 64 : i32
    %add3A_97 = arith.addi %arg1, %add3A_96 : i32
    %lt3A_98 = arith.constant 125 : i32
    %lt3A_99 = arith.cmpi slt, %add3A_97, %lt3A_98 : i32
    %convert_element_type3A_100 = arith.extui %lt3A_99 : i1 to i32
    %cond3A_101 = arith.constant 0 : i32
    %cond3A_102 = arith.cmpi ne, %convert_element_type3A_100, %cond3A_101 : i32
    scf.if %cond3A_102 {
      %mul3A_124 = arith.constant 80 : i32
      %mul3A_125 = arith.muli %add3A_97, %mul3A_124 : i32
      "tpu.region"() ({
        %run_scoped3A = tpu.sem_alloc : memref<!tpu.dma_semaphore, #tpu.memory_space<semaphore_mem>>
        %dma_start3A = arith.constant 0 : i32
        %dma_start3A_128 = tpu.memref_slice %arg10[%mul3A_125, %dma_start3A] : memref<10000x128xf32, #tpu.memory_space<vmem_shared>> -> memref<80x128xf32, #tpu.memory_space<vmem_shared>>
        %dma_start3A_129 = arith.constant 0 : i32
        %dma_start3A_130 = tpu.memref_slice %arg10[%mul3A_125, %dma_start3A_129] : memref<10000x128xf32, #tpu.memory_space<vmem_shared>> -> memref<80x128xf32, #tpu.memory_space<vmem_shared>>
        tpu.enqueue_dma source(%dma_start3A_130 : memref<80x128xf32, #tpu.memory_space<vmem_shared>>) target(%arg9 : memref<80x128xf32, #tpu.memory_space<vmem>>) target_semaphore(%run_scoped3A : memref<!tpu.dma_semaphore, #tpu.memory_space<semaphore_mem>>)
        %dma_wait3A = arith.constant 0 : i32
        %dma_wait3A_131 = tpu.memref_slice %arg10[%mul3A_125, %dma_wait3A] : memref<10000x128xf32, #tpu.memory_space<vmem_shared>> -> memref<80x128xf32, #tpu.memory_space<vmem_shared>>
        %dma_wait3A_132 = arith.constant 0 : i32
        %dma_wait3A_133 = tpu.memref_slice %arg10[%mul3A_125, %dma_wait3A_132] : memref<10000x128xf32, #tpu.memory_space<vmem_shared>> -> memref<80x128xf32, #tpu.memory_space<vmem_shared>>
        tpu.wait_dma2 semaphore(%run_scoped3A : memref<!tpu.dma_semaphore, #tpu.memory_space<semaphore_mem>>) src(%dma_wait3A_133 : memref<80x128xf32, #tpu.memory_space<vmem_shared>>) dst(%arg9 : memref<80x128xf32, #tpu.memory_space<vmem>>)
        tpu.yield
      }) : () -> ()
      %mul3A_126 = arith.constant 80 : i32
      %mul3A_127 = arith.muli %add3A_97, %mul3A_126 : i32
      "tpu.region"() ({
        %run_scoped3A = tpu.sem_alloc : memref<!tpu.dma_semaphore, #tpu.memory_space<semaphore_mem>>
        %dma_start3A = arith.constant 0 : i32
        %dma_start3A_128 = tpu.memref_slice %arg4[%arg0, %mul3A_127, %dma_start3A] : memref<2x10000x128xf32, #tpu.memory_space<hbm>> -> memref<1x80x128xf32, #tpu.memory_space<hbm>>
        %dma_start3A_129 = tpu.memref_squeeze %dma_start3A_128 : memref<1x80x128xf32, #tpu.memory_space<hbm>> -> memref<80x128xf32, #tpu.memory_space<hbm>>
        %dma_start3A_130 = arith.constant 0 : i32
        %dma_start3A_131 = tpu.memref_slice %arg4[%arg0, %mul3A_127, %dma_start3A_130] : memref<2x10000x128xf32, #tpu.memory_space<hbm>> -> memref<1x80x128xf32, #tpu.memory_space<hbm>>
        %dma_start3A_132 = tpu.memref_squeeze %dma_start3A_131 : memref<1x80x128xf32, #tpu.memory_space<hbm>> -> memref<80x128xf32, #tpu.memory_space<hbm>>
        tpu.enqueue_dma source(%arg9 : memref<80x128xf32, #tpu.memory_space<vmem>>) target(%dma_start3A_132 : memref<80x128xf32, #tpu.memory_space<hbm>>) target_semaphore(%run_scoped3A : memref<!tpu.dma_semaphore, #tpu.memory_space<semaphore_mem>>)
        %dma_wait3A = arith.constant 0 : i32
        %dma_wait3A_133 = tpu.memref_slice %arg4[%arg0, %mul3A_127, %dma_wait3A] : memref<2x10000x128xf32, #tpu.memory_space<hbm>> -> memref<1x80x128xf32, #tpu.memory_space<hbm>>
        %dma_wait3A_134 = tpu.memref_squeeze %dma_wait3A_133 : memref<1x80x128xf32, #tpu.memory_space<hbm>> -> memref<80x128xf32, #tpu.memory_space<hbm>>
        %dma_wait3A_135 = arith.constant 0 : i32
        %dma_wait3A_136 = tpu.memref_slice %arg4[%arg0, %mul3A_127, %dma_wait3A_135] : memref<2x10000x128xf32, #tpu.memory_space<hbm>> -> memref<1x80x128xf32, #tpu.memory_space<hbm>>
        %dma_wait3A_137 = tpu.memref_squeeze %dma_wait3A_136 : memref<1x80x128xf32, #tpu.memory_space<hbm>> -> memref<80x128xf32, #tpu.memory_space<hbm>>
        tpu.wait_dma2 semaphore(%run_scoped3A : memref<!tpu.dma_semaphore, #tpu.memory_space<semaphore_mem>>) src(%arg9 : memref<80x128xf32, #tpu.memory_space<vmem>>) dst(%dma_wait3A_137 : memref<80x128xf32, #tpu.memory_space<hbm>>)
        tpu.yield
      }) : () -> ()
    } else {
    }
    %add3A_103 = arith.constant 80 : i32
    %add3A_104 = arith.addi %arg1, %add3A_103 : i32
    %lt3A_105 = arith.constant 125 : i32
    %lt3A_106 = arith.cmpi slt, %add3A_104, %lt3A_105 : i32
    %convert_element_type3A_107 = arith.extui %lt3A_106 : i1 to i32
    %cond3A_108 = arith.constant 0 : i32
    %cond3A_109 = arith.cmpi ne, %convert_element_type3A_107, %cond3A_108 : i32
    scf.if %cond3A_109 {
      %mul3A_124 = arith.constant 80 : i32
      %mul3A_125 = arith.muli %add3A_104, %mul3A_124 : i32
      "tpu.region"() ({
        %run_scoped3A = tpu.sem_alloc : memref<!tpu.dma_semaphore, #tpu.memory_space<semaphore_mem>>
        %dma_start3A = arith.constant 0 : i32
        %dma_start3A_128 = tpu.memref_slice %arg10[%mul3A_125, %dma_start3A] : memref<10000x128xf32, #tpu.memory_space<vmem_shared>> -> memref<80x128xf32, #tpu.memory_space<vmem_shared>>
        %dma_start3A_129 = arith.constant 0 : i32
        %dma_start3A_130 = tpu.memref_slice %arg10[%mul3A_125, %dma_start3A_129] : memref<10000x128xf32, #tpu.memory_space<vmem_shared>> -> memref<80x128xf32, #tpu.memory_space<vmem_shared>>
        tpu.enqueue_dma source(%dma_start3A_130 : memref<80x128xf32, #tpu.memory_space<vmem_shared>>) target(%arg9 : memref<80x128xf32, #tpu.memory_space<vmem>>) target_semaphore(%run_scoped3A : memref<!tpu.dma_semaphore, #tpu.memory_space<semaphore_mem>>)
        %dma_wait3A = arith.constant 0 : i32
        %dma_wait3A_131 = tpu.memref_slice %arg10[%mul3A_125, %dma_wait3A] : memref<10000x128xf32, #tpu.memory_space<vmem_shared>> -> memref<80x128xf32, #tpu.memory_space<vmem_shared>>
        %dma_wait3A_132 = arith.constant 0 : i32
        %dma_wait3A_133 = tpu.memref_slice %arg10[%mul3A_125, %dma_wait3A_132] : memref<10000x128xf32, #tpu.memory_space<vmem_shared>> -> memref<80x128xf32, #tpu.memory_space<vmem_shared>>
        tpu.wait_dma2 semaphore(%run_scoped3A : memref<!tpu.dma_semaphore, #tpu.memory_space<semaphore_mem>>) src(%dma_wait3A_133 : memref<80x128xf32, #tpu.memory_space<vmem_shared>>) dst(%arg9 : memref<80x128xf32, #tpu.memory_space<vmem>>)
        tpu.yield
      }) : () -> ()
      %mul3A_126 = arith.constant 80 : i32
      %mul3A_127 = arith.muli %add3A_104, %mul3A_126 : i32
      "tpu.region"() ({
        %run_scoped3A = tpu.sem_alloc : memref<!tpu.dma_semaphore, #tpu.memory_space<semaphore_mem>>
        %dma_start3A = arith.constant 0 : i32
        %dma_start3A_128 = tpu.memref_slice %arg4[%arg0, %mul3A_127, %dma_start3A] : memref<2x10000x128xf32, #tpu.memory_space<hbm>> -> memref<1x80x128xf32, #tpu.memory_space<hbm>>
        %dma_start3A_129 = tpu.memref_squeeze %dma_start3A_128 : memref<1x80x128xf32, #tpu.memory_space<hbm>> -> memref<80x128xf32, #tpu.memory_space<hbm>>
        %dma_start3A_130 = arith.constant 0 : i32
        %dma_start3A_131 = tpu.memref_slice %arg4[%arg0, %mul3A_127, %dma_start3A_130] : memref<2x10000x128xf32, #tpu.memory_space<hbm>> -> memref<1x80x128xf32, #tpu.memory_space<hbm>>
        %dma_start3A_132 = tpu.memref_squeeze %dma_start3A_131 : memref<1x80x128xf32, #tpu.memory_space<hbm>> -> memref<80x128xf32, #tpu.memory_space<hbm>>
        tpu.enqueue_dma source(%arg9 : memref<80x128xf32, #tpu.memory_space<vmem>>) target(%dma_start3A_132 : memref<80x128xf32, #tpu.memory_space<hbm>>) target_semaphore(%run_scoped3A : memref<!tpu.dma_semaphore, #tpu.memory_space<semaphore_mem>>)
        %dma_wait3A = arith.constant 0 : i32
        %dma_wait3A_133 = tpu.memref_slice %arg4[%arg0, %mul3A_127, %dma_wait3A] : memref<2x10000x128xf32, #tpu.memory_space<hbm>> -> memref<1x80x128xf32, #tpu.memory_space<hbm>>
        %dma_wait3A_134 = tpu.memref_squeeze %dma_wait3A_133 : memref<1x80x128xf32, #tpu.memory_space<hbm>> -> memref<80x128xf32, #tpu.memory_space<hbm>>
        %dma_wait3A_135 = arith.constant 0 : i32
        %dma_wait3A_136 = tpu.memref_slice %arg4[%arg0, %mul3A_127, %dma_wait3A_135] : memref<2x10000x128xf32, #tpu.memory_space<hbm>> -> memref<1x80x128xf32, #tpu.memory_space<hbm>>
        %dma_wait3A_137 = tpu.memref_squeeze %dma_wait3A_136 : memref<1x80x128xf32, #tpu.memory_space<hbm>> -> memref<80x128xf32, #tpu.memory_space<hbm>>
        tpu.wait_dma2 semaphore(%run_scoped3A : memref<!tpu.dma_semaphore, #tpu.memory_space<semaphore_mem>>) src(%arg9 : memref<80x128xf32, #tpu.memory_space<vmem>>) dst(%dma_wait3A_137 : memref<80x128xf32, #tpu.memory_space<hbm>>)
        tpu.yield
      }) : () -> ()
    } else {
    }
    %add3A_110 = arith.constant 96 : i32
    %add3A_111 = arith.addi %arg1, %add3A_110 : i32
    %lt3A_112 = arith.constant 125 : i32
    %lt3A_113 = arith.cmpi slt, %add3A_111, %lt3A_112 : i32
    %convert_element_type3A_114 = arith.extui %lt3A_113 : i1 to i32
    %cond3A_115 = arith.constant 0 : i32
    %cond3A_116 = arith.cmpi ne, %convert_element_type3A_114, %cond3A_115 : i32
    scf.if %cond3A_116 {
      %mul3A_124 = arith.constant 80 : i32
      %mul3A_125 = arith.muli %add3A_111, %mul3A_124 : i32
      "tpu.region"() ({
        %run_scoped3A = tpu.sem_alloc : memref<!tpu.dma_semaphore, #tpu.memory_space<semaphore_mem>>
        %dma_start3A = arith.constant 0 : i32
        %dma_start3A_128 = tpu.memref_slice %arg10[%mul3A_125, %dma_start3A] : memref<10000x128xf32, #tpu.memory_space<vmem_shared>> -> memref<80x128xf32, #tpu.memory_space<vmem_shared>>
        %dma_start3A_129 = arith.constant 0 : i32
        %dma_start3A_130 = tpu.memref_slice %arg10[%mul3A_125, %dma_start3A_129] : memref<10000x128xf32, #tpu.memory_space<vmem_shared>> -> memref<80x128xf32, #tpu.memory_space<vmem_shared>>
        tpu.enqueue_dma source(%dma_start3A_130 : memref<80x128xf32, #tpu.memory_space<vmem_shared>>) target(%arg9 : memref<80x128xf32, #tpu.memory_space<vmem>>) target_semaphore(%run_scoped3A : memref<!tpu.dma_semaphore, #tpu.memory_space<semaphore_mem>>)
        %dma_wait3A = arith.constant 0 : i32
        %dma_wait3A_131 = tpu.memref_slice %arg10[%mul3A_125, %dma_wait3A] : memref<10000x128xf32, #tpu.memory_space<vmem_shared>> -> memref<80x128xf32, #tpu.memory_space<vmem_shared>>
        %dma_wait3A_132 = arith.constant 0 : i32
        %dma_wait3A_133 = tpu.memref_slice %arg10[%mul3A_125, %dma_wait3A_132] : memref<10000x128xf32, #tpu.memory_space<vmem_shared>> -> memref<80x128xf32, #tpu.memory_space<vmem_shared>>
        tpu.wait_dma2 semaphore(%run_scoped3A : memref<!tpu.dma_semaphore, #tpu.memory_space<semaphore_mem>>) src(%dma_wait3A_133 : memref<80x128xf32, #tpu.memory_space<vmem_shared>>) dst(%arg9 : memref<80x128xf32, #tpu.memory_space<vmem>>)
        tpu.yield
      }) : () -> ()
      %mul3A_126 = arith.constant 80 : i32
      %mul3A_127 = arith.muli %add3A_111, %mul3A_126 : i32
      "tpu.region"() ({
        %run_scoped3A = tpu.sem_alloc : memref<!tpu.dma_semaphore, #tpu.memory_space<semaphore_mem>>
        %dma_start3A = arith.constant 0 : i32
        %dma_start3A_128 = tpu.memref_slice %arg4[%arg0, %mul3A_127, %dma_start3A] : memref<2x10000x128xf32, #tpu.memory_space<hbm>> -> memref<1x80x128xf32, #tpu.memory_space<hbm>>
        %dma_start3A_129 = tpu.memref_squeeze %dma_start3A_128 : memref<1x80x128xf32, #tpu.memory_space<hbm>> -> memref<80x128xf32, #tpu.memory_space<hbm>>
        %dma_start3A_130 = arith.constant 0 : i32
        %dma_start3A_131 = tpu.memref_slice %arg4[%arg0, %mul3A_127, %dma_start3A_130] : memref<2x10000x128xf32, #tpu.memory_space<hbm>> -> memref<1x80x128xf32, #tpu.memory_space<hbm>>
        %dma_start3A_132 = tpu.memref_squeeze %dma_start3A_131 : memref<1x80x128xf32, #tpu.memory_space<hbm>> -> memref<80x128xf32, #tpu.memory_space<hbm>>
        tpu.enqueue_dma source(%arg9 : memref<80x128xf32, #tpu.memory_space<vmem>>) target(%dma_start3A_132 : memref<80x128xf32, #tpu.memory_space<hbm>>) target_semaphore(%run_scoped3A : memref<!tpu.dma_semaphore, #tpu.memory_space<semaphore_mem>>)
        %dma_wait3A = arith.constant 0 : i32
        %dma_wait3A_133 = tpu.memref_slice %arg4[%arg0, %mul3A_127, %dma_wait3A] : memref<2x10000x128xf32, #tpu.memory_space<hbm>> -> memref<1x80x128xf32, #tpu.memory_space<hbm>>
        %dma_wait3A_134 = tpu.memref_squeeze %dma_wait3A_133 : memref<1x80x128xf32, #tpu.memory_space<hbm>> -> memref<80x128xf32, #tpu.memory_space<hbm>>
        %dma_wait3A_135 = arith.constant 0 : i32
        %dma_wait3A_136 = tpu.memref_slice %arg4[%arg0, %mul3A_127, %dma_wait3A_135] : memref<2x10000x128xf32, #tpu.memory_space<hbm>> -> memref<1x80x128xf32, #tpu.memory_space<hbm>>
        %dma_wait3A_137 = tpu.memref_squeeze %dma_wait3A_136 : memref<1x80x128xf32, #tpu.memory_space<hbm>> -> memref<80x128xf32, #tpu.memory_space<hbm>>
        tpu.wait_dma2 semaphore(%run_scoped3A : memref<!tpu.dma_semaphore, #tpu.memory_space<semaphore_mem>>) src(%arg9 : memref<80x128xf32, #tpu.memory_space<vmem>>) dst(%dma_wait3A_137 : memref<80x128xf32, #tpu.memory_space<hbm>>)
        tpu.yield
      }) : () -> ()
    } else {
    }
    %add3A_117 = arith.constant 112 : i32
    %add3A_118 = arith.addi %arg1, %add3A_117 : i32
    %lt3A_119 = arith.constant 125 : i32
    %lt3A_120 = arith.cmpi slt, %add3A_118, %lt3A_119 : i32
    %convert_element_type3A_121 = arith.extui %lt3A_120 : i1 to i32
    %cond3A_122 = arith.constant 0 : i32
    %cond3A_123 = arith.cmpi ne, %convert_element_type3A_121, %cond3A_122 : i32
    scf.if %cond3A_123 {
      %mul3A_124 = arith.constant 80 : i32
      %mul3A_125 = arith.muli %add3A_118, %mul3A_124 : i32
      "tpu.region"() ({
        %run_scoped3A = tpu.sem_alloc : memref<!tpu.dma_semaphore, #tpu.memory_space<semaphore_mem>>
        %dma_start3A = arith.constant 0 : i32
        %dma_start3A_128 = tpu.memref_slice %arg10[%mul3A_125, %dma_start3A] : memref<10000x128xf32, #tpu.memory_space<vmem_shared>> -> memref<80x128xf32, #tpu.memory_space<vmem_shared>>
        %dma_start3A_129 = arith.constant 0 : i32
        %dma_start3A_130 = tpu.memref_slice %arg10[%mul3A_125, %dma_start3A_129] : memref<10000x128xf32, #tpu.memory_space<vmem_shared>> -> memref<80x128xf32, #tpu.memory_space<vmem_shared>>
        tpu.enqueue_dma source(%dma_start3A_130 : memref<80x128xf32, #tpu.memory_space<vmem_shared>>) target(%arg9 : memref<80x128xf32, #tpu.memory_space<vmem>>) target_semaphore(%run_scoped3A : memref<!tpu.dma_semaphore, #tpu.memory_space<semaphore_mem>>)
        %dma_wait3A = arith.constant 0 : i32
        %dma_wait3A_131 = tpu.memref_slice %arg10[%mul3A_125, %dma_wait3A] : memref<10000x128xf32, #tpu.memory_space<vmem_shared>> -> memref<80x128xf32, #tpu.memory_space<vmem_shared>>
        %dma_wait3A_132 = arith.constant 0 : i32
        %dma_wait3A_133 = tpu.memref_slice %arg10[%mul3A_125, %dma_wait3A_132] : memref<10000x128xf32, #tpu.memory_space<vmem_shared>> -> memref<80x128xf32, #tpu.memory_space<vmem_shared>>
        tpu.wait_dma2 semaphore(%run_scoped3A : memref<!tpu.dma_semaphore, #tpu.memory_space<semaphore_mem>>) src(%dma_wait3A_133 : memref<80x128xf32, #tpu.memory_space<vmem_shared>>) dst(%arg9 : memref<80x128xf32, #tpu.memory_space<vmem>>)
        tpu.yield
      }) : () -> ()
      %mul3A_126 = arith.constant 80 : i32
      %mul3A_127 = arith.muli %add3A_118, %mul3A_126 : i32
      "tpu.region"() ({
        %run_scoped3A = tpu.sem_alloc : memref<!tpu.dma_semaphore, #tpu.memory_space<semaphore_mem>>
        %dma_start3A = arith.constant 0 : i32
        %dma_start3A_128 = tpu.memref_slice %arg4[%arg0, %mul3A_127, %dma_start3A] : memref<2x10000x128xf32, #tpu.memory_space<hbm>> -> memref<1x80x128xf32, #tpu.memory_space<hbm>>
        %dma_start3A_129 = tpu.memref_squeeze %dma_start3A_128 : memref<1x80x128xf32, #tpu.memory_space<hbm>> -> memref<80x128xf32, #tpu.memory_space<hbm>>
        %dma_start3A_130 = arith.constant 0 : i32
        %dma_start3A_131 = tpu.memref_slice %arg4[%arg0, %mul3A_127, %dma_start3A_130] : memref<2x10000x128xf32, #tpu.memory_space<hbm>> -> memref<1x80x128xf32, #tpu.memory_space<hbm>>
        %dma_start3A_132 = tpu.memref_squeeze %dma_start3A_131 : memref<1x80x128xf32, #tpu.memory_space<hbm>> -> memref<80x128xf32, #tpu.memory_space<hbm>>
        tpu.enqueue_dma source(%arg9 : memref<80x128xf32, #tpu.memory_space<vmem>>) target(%dma_start3A_132 : memref<80x128xf32, #tpu.memory_space<hbm>>) target_semaphore(%run_scoped3A : memref<!tpu.dma_semaphore, #tpu.memory_space<semaphore_mem>>)
        %dma_wait3A = arith.constant 0 : i32
        %dma_wait3A_133 = tpu.memref_slice %arg4[%arg0, %mul3A_127, %dma_wait3A] : memref<2x10000x128xf32, #tpu.memory_space<hbm>> -> memref<1x80x128xf32, #tpu.memory_space<hbm>>
        %dma_wait3A_134 = tpu.memref_squeeze %dma_wait3A_133 : memref<1x80x128xf32, #tpu.memory_space<hbm>> -> memref<80x128xf32, #tpu.memory_space<hbm>>
        %dma_wait3A_135 = arith.constant 0 : i32
        %dma_wait3A_136 = tpu.memref_slice %arg4[%arg0, %mul3A_127, %dma_wait3A_135] : memref<2x10000x128xf32, #tpu.memory_space<hbm>> -> memref<1x80x128xf32, #tpu.memory_space<hbm>>
        %dma_wait3A_137 = tpu.memref_squeeze %dma_wait3A_136 : memref<1x80x128xf32, #tpu.memory_space<hbm>> -> memref<80x128xf32, #tpu.memory_space<hbm>>
        tpu.wait_dma2 semaphore(%run_scoped3A : memref<!tpu.dma_semaphore, #tpu.memory_space<semaphore_mem>>) src(%arg9 : memref<80x128xf32, #tpu.memory_space<vmem>>) dst(%dma_wait3A_137 : memref<80x128xf32, #tpu.memory_space<hbm>>)
        tpu.yield
      }) : () -> ()
    } else {
    }
    return
  }
}

module attributes {stable_mosaic.version = 14 : i64} {
  func.func @_s1_body(%arg0: i32, %arg1: i32, %arg2: memref<1x2560x16xf32, #tpu.memory_space<vmem>>, %arg3: memref<1x2560x1xf32, #tpu.memory_space<vmem>>, %arg4: memref<128x16xf32, #tpu.memory_space<vmem>>, %arg5: memref<1x2560x128xf32, #tpu.memory_space<vmem>>) attributes {dimension_semantics = [#tpu.dimension_semantics<arbitrary>, #tpu.dimension_semantics<arbitrary>], iteration_bounds = array<i64: 2, 125>, scalar_prefetch = 0 : i64, scratch_operands = 0 : i64, tpu.core_type = #tpu.core_type<tc>, window_params = [{transform_indices = @transform_0, window_bounds = array<i64: 1, 2560, 16>}, {transform_indices = @transform_1, window_bounds = array<i64: 1, 2560, 1>}, {pipeline_mode = #tpu.pipeline_mode<synchronous>, transform_indices = @transform_2, window_bounds = array<i64: 128, 16>}, {transform_indices = @transform_3, window_bounds = array<i64: 1, 2560, 128>}]} {
    %get3A = arith.constant 0 : index
    %get3A_0 = arith.constant 0 : index
    %get3A_1 = arith.constant 0 : index
    %get3A_2 = vector.load %arg2[%get3A, %get3A_0, %get3A_1] : memref<1x2560x16xf32, #tpu.memory_space<vmem>>, vector<1x2560x16xf32>
    %get3A_3 = vector.shape_cast %get3A_2 : vector<1x2560x16xf32> to vector<2560x16xf32>
    %convert_element_type3A = arith.truncf %get3A_3 : vector<2560x16xf32> to vector<2560x16xbf16>
    %get3A_4 = arith.constant 0 : index
    %get3A_5 = arith.constant 0 : index
    %get3A_6 = vector.load %arg4[%get3A_4, %get3A_5] : memref<128x16xf32, #tpu.memory_space<vmem>>, vector<128x16xf32>
    %convert_element_type3A_7 = arith.truncf %get3A_6 : vector<128x16xf32> to vector<128x16xbf16>
    %dot_general3A = arith.constant dense<0.000000e+00> : vector<2560x128xf32>
    %dot_general3A_8 = tpu.matmul %convert_element_type3A, %convert_element_type3A_7, %dot_general3A {dimension_numbers = #tpu.dot_dimension_numbers<[1], [1], [0], [0], [0, 0, 1, 0], [], []>, transpose_lhs_hint = false} : vector<2560x16xbf16>, vector<128x16xbf16>, vector<2560x128xf32> -> vector<2560x128xf32>
    %ge3A = arith.constant 0.000000e+00 : f32
    %ge3A_9 = vector.broadcast %ge3A : f32 to vector<2560x128xf32>
    %ge3A_10 = arith.cmpf oge, %dot_general3A_8, %ge3A_9 : vector<2560x128xf32>
    %mul3A = arith.constant 0.00999999977 : f32
    %mul3A_11 = vector.broadcast %mul3A : f32 to vector<2560x128xf32>
    %mul3A_12 = arith.mulf %mul3A_11, %dot_general3A_8 : vector<2560x128xf32>
    %select_n3A = arith.select %ge3A_10, %dot_general3A_8, %mul3A_12 : vector<2560x128xi1>, vector<2560x128xf32>
    %get3A_13 = arith.constant 0 : index
    %get3A_14 = arith.constant 0 : index
    %get3A_15 = arith.constant 0 : index
    %get3A_16 = vector.load %arg3[%get3A_13, %get3A_14, %get3A_15] : memref<1x2560x1xf32, #tpu.memory_space<vmem>>, vector<1x2560x1xf32>
    %get3A_17 = vector.shape_cast %get3A_16 : vector<1x2560x1xf32> to vector<2560x1xf32>
    %mul3A_18 = vector.broadcast %get3A_17 : vector<2560x1xf32> to vector<2560x128xf32>
    %mul3A_19 = arith.mulf %select_n3A, %mul3A_18 : vector<2560x128xf32>
    %swap3A = arith.constant 0 : index
    %swap3A_20 = arith.constant 0 : index
    %swap3A_21 = arith.constant 0 : index
    %swap3A_22 = vector.load %arg5[%swap3A, %swap3A_20, %swap3A_21] : memref<1x2560x128xf32, #tpu.memory_space<vmem>>, vector<1x2560x128xf32>
    %swap3A_23 = vector.shape_cast %swap3A_22 : vector<1x2560x128xf32> to vector<2560x128xf32>
    %swap3A_24 = vector.shape_cast %mul3A_19 : vector<2560x128xf32> to vector<1x2560x128xf32>
    tpu.vector_store %arg5[%swap3A, %swap3A_20, %swap3A_21], %swap3A_24 {strides = array<i32>} : memref<1x2560x128xf32, #tpu.memory_space<vmem>>, vector<1x2560x128xf32>,
    return
  }
  func.func @transform_0(%arg0: i32, %arg1: i32) -> (i32, i32, i32) {
    %c0_i32 = arith.constant 0 : i32
    %c0_i32_0 = arith.constant 0 : i32
    return %arg0, %arg1, %c0_i32 : i32, i32, i32
  }
  func.func @transform_1(%arg0: i32, %arg1: i32) -> (i32, i32, i32) {
    %c0_i32 = arith.constant 0 : i32
    %c0_i32_0 = arith.constant 0 : i32
    return %arg0, %arg1, %c0_i32 : i32, i32, i32
  }
  func.func @transform_2(%arg0: i32, %arg1: i32) -> (i32, i32) {
    %c0_i32 = arith.constant 0 : i32
    %c0_i32_0 = arith.constant 0 : i32
    %c0_i32_1 = arith.constant 0 : i32
    return %c0_i32, %c0_i32_0 : i32, i32
  }
  func.func @transform_3(%arg0: i32, %arg1: i32) -> (i32, i32, i32) {
    %c0_i32 = arith.constant 0 : i32
    %c0_i32_0 = arith.constant 0 : i32
    return %arg0, %arg1, %c0_i32 : i32, i32, i32
  }
}

module attributes {stable_mosaic.version = 14 : i64} {
  func.func @_s3_body(%arg0: i32, %arg1: memref<1x10000x128xf32, #tpu.memory_space<vmem>>, %arg2: memref<128x128xf32, #tpu.memory_space<vmem>>, %arg3: memref<1x10000x128xf32, #tpu.memory_space<vmem>>) attributes {dimension_semantics = [#tpu.dimension_semantics<arbitrary>], iteration_bounds = array<i64: 2>, scalar_prefetch = 0 : i64, scratch_operands = 0 : i64, tpu.core_type = #tpu.core_type<tc>, window_params = [{transform_indices = @transform_0, window_bounds = array<i64: 1, 10000, 128>}, {pipeline_mode = #tpu.pipeline_mode<synchronous>, transform_indices = @transform_1, window_bounds = array<i64: 128, 128>}, {transform_indices = @transform_2, window_bounds = array<i64: 1, 10000, 128>}]} {
    %get3A = arith.constant 0 : index
    %get3A_0 = arith.constant 0 : index
    %get3A_1 = arith.constant 0 : index
    %get3A_2 = vector.load %arg1[%get3A, %get3A_0, %get3A_1] : memref<1x10000x128xf32, #tpu.memory_space<vmem>>, vector<1x10000x128xf32>
    %get3A_3 = vector.shape_cast %get3A_2 : vector<1x10000x128xf32> to vector<10000x128xf32>
    %get3A_4 = arith.constant 0 : index
    %get3A_5 = arith.constant 0 : index
    %get3A_6 = vector.load %arg2[%get3A_4, %get3A_5] : memref<128x128xf32, #tpu.memory_space<vmem>>, vector<128x128xf32>
    %dot_general3A = arith.constant dense<0.000000e+00> : vector<10000x128xf32>
    %dot_general3A_7 = tpu.matmul %get3A_3, %get3A_6, %dot_general3A {dimension_numbers = #tpu.dot_dimension_numbers<[1], [1], [0], [0], [0, 0, 1, 0], [], []>, transpose_lhs_hint = false} : vector<10000x128xf32>, vector<128x128xf32>, vector<10000x128xf32> -> vector<10000x128xf32>
    %swap3A = arith.constant 0 : index
    %swap3A_8 = arith.constant 0 : index
    %swap3A_9 = arith.constant 0 : index
    %swap3A_10 = vector.load %arg3[%swap3A, %swap3A_8, %swap3A_9] : memref<1x10000x128xf32, #tpu.memory_space<vmem>>, vector<1x10000x128xf32>
    %swap3A_11 = vector.shape_cast %swap3A_10 : vector<1x10000x128xf32> to vector<10000x128xf32>
    %swap3A_12 = vector.shape_cast %dot_general3A_7 : vector<10000x128xf32> to vector<1x10000x128xf32>
    tpu.vector_store %arg3[%swap3A, %swap3A_8, %swap3A_9], %swap3A_12 {strides = array<i32>} : memref<1x10000x128xf32, #tpu.memory_space<vmem>>, vector<1x10000x128xf32>,
    return
  }
  func.func @transform_0(%arg0: i32) -> (i32, i32, i32) {
    %c0_i32 = arith.constant 0 : i32
    %c0_i32_0 = arith.constant 0 : i32
    %c0_i32_1 = arith.constant 0 : i32
    return %arg0, %c0_i32, %c0_i32_0 : i32, i32, i32
  }
  func.func @transform_1(%arg0: i32) -> (i32, i32) {
    %c0_i32 = arith.constant 0 : i32
    %c0_i32_0 = arith.constant 0 : i32
    %c0_i32_1 = arith.constant 0 : i32
    return %c0_i32, %c0_i32_0 : i32, i32
  }
  func.func @transform_2(%arg0: i32) -> (i32, i32, i32) {
    %c0_i32 = arith.constant 0 : i32
    %c0_i32_0 = arith.constant 0 : i32
    %c0_i32_1 = arith.constant 0 : i32
    return %arg0, %c0_i32, %c0_i32_0 : i32, i32, i32
  }
}

</mosaic_0001>

<sc_bundles>
// kernel: kernel.5.cloned.1.call-start
scs
__scs_entry_jumppad:
0x0: {  	(pc) =	sbr.rel $0x88, $3  }
0x1: {  	(tag) =	ssettag $0x0;
	lr =	simm.s32 $0x1  }
0x2: {  	[smem:$0x3F9C] =	sst lr;
	_ =	strace $0xD0000000  }
0x3: {  	_ = 	snop  }
0x4: {  	_ = 	snop  }
0x5: {  	_ = 	snop  }
0x6: {  	_ = 	snop  }
0x7: {  	_ = 	snop  }
__scs_overlays_trampoline_lowered:
0x8: {  	[smem:$0x3FAB] =	sst s0  }
0x9: {  	[smem:$0x3FAC] =	sst s1  }
0xa: {  	[smem:$0x3FAD] =	sst s2  }
0xb: {  	[smem:$0x3FAE] =	sst s3  }
0xc: {  	[smem:$0x3FAF] =	sst s4  }
0xd: {  	[smem:$0x3FB0] =	sst s5  }
0xe: {  	[smem:$0x3FB1] =	sst s6  }
0xf: {  	[smem:$0x3FB2] =	sst s7  }
0x10: {  	[smem:$0x3FB3] =	sst s8  }
0x11: {  	[smem:$0x3FB4] =	sst s9;
	s0 =	simm.s32 @!p0 $0x0  }
0x12: {  	s1 =	sld [smem:$0x3F9A];
	s0 =	simm.s32 @p0 $0x1  }
0x13: {  	[smem:$0x3FB5] =	sst s0;
	s0 =	simm.s32 @!p1 $0x0  }
0x14: {  	s2 =	sld [smem:$0x3F99];
	s0 =	simm.s32 @p1 $0x1  }
0x15: {  	[smem:$0x3FB6] =	sst s0;
	s0 =	simm.s32 @!p2 $0x0  }
0x16: {  	s3 =	sld [smem:$0x3FDB];
	s0 =	simm.s32 @p2 $0x1  }
0x17: {  	s4 =	simm.s32 $0x1BF5;
	[smem:$0x3FB8] =	sst s0  }
0x18: {  	s0 =	sld [smem:$0x3F9B];
	_ =	swait.ge [sflag:s4], $0x0  }
0x19: {  	s7 =	sld [smem:$0x3F9C]  }
0x1a: {  	s8 =	sadd.s32 $0xFFFFE003, lr  }
0x1b: {  	s9 =	sadd.s32 $0xFFFFFEF7, lr;
	s5 =	simm.s32 $0xFFFFFFFF;
	p2 =	slt.u32 s8, $0xFFFFF086  }
0x1c: {  	p1 =	slt.u32 s9, $0xF7A;
	s5 =	simm.s32 @!p2 $0x0  }
0x1d: {  	s5 =	simm.s32 @p1 $0x1;
	p0 =	seq.s32 s7, s2  }
0x1e: {  	s7 =	smul.u32 @!p0 $0xF7A, s2;
	p2 =	seq.s32 @!p0 s5, $0x0  }
0x1f: {  	s9 =	smul.u32 $0xF7A, s1;
	s8 =	simm.s32 @!p0 $0x1BF5;
	p2 =	por !p2, p0  }
0x20: {  	[sflag:s8] =	ssyncset.s32 @!p0 $0xFFFFF086;
	s6 =	sadd.s32 @!p0 s3, s7;
	s7 =	simm.s32 @!p0 $0x108  }
0x21: {  	s3 =	sadd.s32 s3, s9;
	s6 =	sadd.s32 @!p0 $0x88, s6;
	s7 =	simm.s32 @p2 $0x1082  }
0x22: {  	[simem:s7], [sflag:s8] =	dma.local @!p0 [hbm:s6], $0xF7A  }
0x23: {  	s9 =	sor.u32 $0xD0000000, s2;
	s6 =	simm.s32 $0x108;
	_ =	swait.ge @!p0 [sflag:s8], $0x0  }
0x24: {  	s3 =	sadd.s32 $0x88, s3;
	s6 =	simm.s32 @!p1 $0x1082;
	[sflag:s4] =	ssyncset.s32 $0xFFFFF086  }
0x25: {  	[simem:s6], [sflag:s4] =	dma.local [hbm:s3], $0xF7A  }
0x26: {  	[smem:$0x3F9C] =	sst s1;
	(tag) =	ssettag s2;
	_ =	strace s9  }
0x27: {  	s1 =	sld [smem:$0x3FAC]  }
0x28: {  	s2 =	sld [smem:$0x3FAD]  }
0x29: {  	s4 =	sld [smem:$0x3FAF]  }
0x2a: {  	p0 =	seq.s32 s5, $0x0;
	s5 =	sld [smem:$0x3FB0]  }
0x2b: {  	s6 =	sld [smem:$0x3FB1]  }
0x2c: {  	s7 =	sld [smem:$0x3FB2]  }
0x2d: {  	s3 =	simm.s32 $0x108;
	s8 =	sld [smem:$0x3FB3]  }
0x2e: {  	s3 =	simm.s32 @!p0 $0x1082;
	s9 =	sld [smem:$0x3FB4]  }
0x2f: {  	lr =	sadd.s32 s0, s3;
	s0 =	sld [smem:$0x3FAB]  }
0x30: {  	s3 =	sld [smem:$0x3FAE]  }
0x31: {  	[smem:$0x3FB7] =	sst s10  }
0x32: {  	s10 =	sld [smem:$0x3FB5];
	_ =	sdelay $0x3  }
0x33: {  	p0 =	seq.s32 s10, $0x1;
	s10 =	sld [smem:$0x3FB7];
	_ =	sdelay $0x3  }
0x34: {  	[smem:$0x3FB7] =	sst s10  }
0x35: {  	s10 =	sld [smem:$0x3FB6];
	_ =	sdelay $0x3  }
0x36: {  	p1 =	seq.s32 s10, $0x1;
	s10 =	sld [smem:$0x3FB7];
	_ =	sdelay $0x3  }
0x37: {  	[smem:$0x3FB7] =	sst s10  }
0x38: {  	s10 =	sld [smem:$0x3FB8]  }
0x39: {  	_ = 	snop;
	(pc) =	sbr.ind lr, $3  }
0x3a: {  	_ = 	snop  }
0x3b: {  	_ = 	snop  }
0x3c: {  	p2 =	seq.s32 s10, $0x1;
	s10 =	sld [smem:$0x3FB7]  }
0x3d: {  	_ =	shalt  }
0x3e: {  	_ =	shalt  }
0x3f: {  	_ =	shalt  }
0x40: {  	_ =	shalt  }
0x41: {  	_ =	shalt  }
0x42: {  	_ =	shalt  }
0x43: {  	_ =	shalt  }
0x44: {  	_ =	shalt  }
0x45: {  	_ =	shalt  }
0x46: {  	_ =	shalt  }
0x47: {  	_ =	shalt  }
0x48: {  	_ =	shalt  }
0x49: {  	_ =	shalt  }
0x4a: {  	_ =	shalt  }
0x4b: {  	_ =	shalt  }
0x4c: {  	_ =	shalt  }
0x4d: {  	_ =	shalt  }
0x4e: {  	_ =	shalt  }
0x4f: {  	_ =	shalt  }
0x50: {  	_ =	shalt  }
0x51: {  	_ =	shalt  }
0x52: {  	_ =	shalt  }
0x53: {  	_ =	shalt  }
0x54: {  	_ =	shalt  }
0x55: {  	_ =	shalt  }
0x56: {  	_ =	shalt  }
0x57: {  	_ =	shalt  }
0x58: {  	_ =	shalt  }
0x59: {  	_ =	shalt  }
0x5a: {  	_ =	shalt  }
0x5b: {  	_ =	shalt  }
0x5c: {  	_ =	shalt  }
0x5d: {  	_ =	shalt  }
0x5e: {  	_ =	shalt  }
0x5f: {  	_ =	shalt  }
0x60: {  	_ =	shalt  }
0x61: {  	_ =	shalt  }
0x62: {  	_ =	shalt  }
0x63: {  	_ =	shalt  }
0x64: {  	_ =	shalt  }
0x65: {  	_ =	shalt  }
0x66: {  	_ =	shalt  }
0x67: {  	_ =	shalt  }
0x68: {  	_ =	shalt  }
0x69: {  	_ =	shalt  }
0x6a: {  	_ =	shalt  }
0x6b: {  	_ =	shalt  }
0x6c: {  	_ =	shalt  }
0x6d: {  	_ =	shalt  }
0x6e: {  	_ =	shalt  }
0x6f: {  	_ =	shalt  }
0x70: {  	_ =	shalt  }
0x71: {  	_ =	shalt  }
0x72: {  	_ =	shalt  }
0x73: {  	_ =	shalt  }
0x74: {  	_ =	shalt  }
0x75: {  	_ =	shalt  }
0x76: {  	_ =	shalt  }
0x77: {  	_ =	shalt  }
0x78: {  	_ =	shalt  }
0x79: {  	_ =	shalt  }
0x7a: {  	_ =	shalt  }
0x7b: {  	_ =	shalt  }
0x7c: {  	_ =	shalt  }
0x7d: {  	_ =	shalt  }
0x7e: {  	_ =	shalt  }
0x7f: {  	_ =	shalt  }
0x80: {  	_ =	shalt  }
0x81: {  	_ =	shalt  }
0x82: {  	_ =	shalt  }
0x83: {  	_ =	shalt  }
0x84: {  	_ =	shalt  }
0x85: {  	_ =	shalt  }
0x86: {  	_ =	shalt  }
0x87: {  	_ =	shalt  }
.Lfunc_end0:
.L_simem_size_0:
called_computation_lowered:
.L_overlay_start_0:
0x88: {  	s2 =	sld [smem:$0x3FD9]  }
0x89: {  	s3 =	sld [smem:$0x3FFE];
	_ =	sdelay $0x1  }
0x8a: {  	s1 =	srdreg.scid  }
0x8b: {  	s0 =	sand.u32 $0x1, s1  }
0x8c: {  	s17 =	sshll.u32 s0, $0xA;
	s2 =	sadd.s32 s3, s2  }
0x8d: {  	s2 =	sadd.s32 s2, s17  }
0x8e: {  	[smem:$0x3FC3] =	sst s2  }
0x8f: {  	_ = 	snop  }
0x90: {  	s2 =	sld [smem:$0x3FD0];
	(tm) =	ssettm $0x1  }
0x91: {  	s18 =	sld [smem:$0x3FFB];
	_ =	sdelay $0x3  }
0x92: {  	_ =	strace s18  }
0x93: {  	s3 =	sld [smem:$0x3FFC];
	_ =	sdelay $0x3  }
0x94: {  	_ =	strace s3  }
0x95: {  	s3 =	sld [smem:$0x3FFD];
	_ =	sdelay $0x3  }
0x96: {  	_ =	strace s3  }
0x97: {  	_ =	strace $0x8FFFFFFF  }
0x98: {  	s19 =	sld [smem:$0x3FDB];
	_ =	sdelay $0x1  }
0x99: {  	s4 =	simm.s32 $_scs_section_size  }
0x9a: {  	s5 =	simm.s32 $_size__tile_overlayer_lowered;
	s6 =	simm.s32 $_tile_overlayer_lowered  }
0x9b: {  	s22 =	simm.s32 $0x1BFF;
	s21 =	sshll.u32 s6, $0x1;
	s3 =	sadd.s32 s4, s19  }
0x9c: {  	s7 =	simm.s32 $0x0;
	s20 =	sshll.u32 s5, $0x1;
	s5 =	sadd.s32 s21, s3  }
0x9d: {  	[timem:s7], [sflag:s22] =	dma.local [hbm:s5], s20  }
0x9e: {  	_ =	swait.ge [sflag:s22], s20  }
0x9f: {  	s4 =	ssub.s32 $0x0, s20;
	[sflag:s22] =	ssyncset.done $0x0  }
0xa0: {  	[sflag:s22] =	ssyncadd.s32 s4;
	_ =	sdelay $0x1  }
0xa1: {  	s23 =	simm.s32 $0x1B8B  }
0xa2: {  	_ =	swait.ge [sflag:s23], $0x1  }
0xa3: {  	[sflag:s23] =	ssyncset.done $0x0  }
0xa4: {  	s25 =	simm.s32 $0x1B8E;
	s24 =	sld [smem:$0x3FFE];
	[sflag:s23] =	ssyncadd.s32 $0xFFFFFFFF  }
0xa5: {  	s26 =	simm.s32 $execute0_lowered;
	[smem:$0x3FD2] =	sst s25  }
0xa6: {  	s5 =	sshll.u32 s26, $0x1;
	_ =	strace $0x80000046;
	[dreg:$0x1] =	wrdreg $0xFFFFFFFF  }
0xa7: {  	s28 =	simm.s32 $_size_execute0_lowered;
	s3 =	sadd.s32 s3, s5;
	[dreg:$0x0] =	wrdreg $0x0  }
0xa8: {  	s5 =	sshll.u32 s28, $0x1;
	[dreg:$0x2] =	wrdreg s3  }
0xa9: {  	[dreg:$0x3] =	wrdreg s5  }
0xaa: {  	[dreg:$0x4] =	wrdreg $0xC0  }
0xab: {  	_ =	task [dreg:s7], $0x5FFFF  }
0xac: {  	[dreg:$0x1] =	wrdreg $0xFFFFFFFF  }
0xad: {  	[dreg:$0x0] =	wrdreg $0x60  }
0xae: {  	[dreg:$0x2] =	wrdreg s24  }
0xaf: {  	[dreg:$0x3] =	wrdreg s2  }
0xb0: {  	[dreg:$0x4] =	wrdreg $0x80000  }
0xb1: {  	[dreg:$0x5] =	wrdreg $0x9  }
0xb2: {  	_ =	task.clear_ibuf [dreg:s7], $0x6FFFF;
	_ =	strace $0x90000046  }
0xb3: {  	s29 =	simm.s32 $0x9;
	_ =	strace $0x80000048  }
0xb4: {  	_ =	swait.ge [sflag:s29], $0x1  }
0xb5: {  	[sflag:s29] =	ssyncadd.s32 $0xFFFFFFFF  }
0xb6: {  	_ =	strace $0x90000048  }
0xb7: {  	_ =	sfence  }
0xb8: {  	s30 =	sld [smem:$0x0];
	_ =	sdelay $0x2  }
0xb9: {  	s31 =	sshll.u32 s1, $0xD;
	s1 =	sshrl.u32 s1, $0x2  }
0xba: {  	s3 =	sand.u32 $0x4000, s31;
	s1 =	sadd.s32 s1, s30  }
0xbb: {  	s0 =	sor.u32 s3, s0;
	s1 =	sshll.u32 s1, $0x11  }
0xbc: {  	s0 =	sor.u32 s1, s0  }
0xbd: {  	s0 =	sadd.s32 $0x8F2B, s0  }
0xbe: {  	[sflag:s0] =	ssyncadd.remote.s32 $0x1  }
0xbf: {  	_ =	sfence.sel $0xFFFF  }
0xc0: {  	[dreg:$0x0] =	wrdreg $0xFFFFFFFF;
	(pc) =	sbr.abs _section_cstart, $3  }
0xc1: {  	[dreg:$0x1] =	wrdreg $0xFFFFFFFF  }
0xc2: {  	_ =	task.clear_ibuf [dreg:s7], $0x2FFFF;
	_ =	strace $0x9FFFFFFF  }
0xc3: {  	(tm) =	ssettm $0x7FFFFFFF  }
tec
execute0_lowered:
.L_overlay_start_1:
0x0: {  	(tag) =	ssettag $0x1  }
0x1: {  	s4 =	rddreg [dreg:$0x0]  }
0x2: {  	s1 =	srdreg.scid;
	s24 =	stileid.u32  }
0x3: {  	s0 =	rddreg [dreg:$0x1];
	s5 =	smul.u32 $0x271000, s24  }
0x4: {  	s2 =	rddreg [dreg:$0x2];
	s9 =	sand.u32 $0x1, s1;
	s6 =	smul.u32 $0xA000, s24  }
0x5: {  	s3 =	simm.s32 $0x0;
	s11 =	sor.u32 $0x10, s24;
	s1 =	smul.u32 $0x2710000, s9  }
0x6: {  	s28 =	simm.s32 $0x3000;
	s14 =	sor.u32 $0x20, s24;
	s7 =	smul.u32 $0xA000, s11  }
0x7: {  	s29 =	simm.s32 $0x50;
	s15 =	sor.u32 $0x30, s24;
	s21 =	smul.u32 $0xA000, s14  }
0x8: {  	s30 =	simm.s32 $0x0;
	s16 =	sor.u32 $0x40, s24;
	s22 =	smul.u32 $0xA000, s15  }
0x9: {  	s31 =	simm.s32 $0x0;
	[smem:$0x7FF] =	sst s3;
	s8 =	smul.u32 $0xA000, s16  }
0xa: {  	s17 =	sshll.u32 s24, $0xD;
	p0 =	sgt.u32 s24, $0xC;
	s14 =	smul.u32 $0x2800, s14  }
0xb: {  	_ =	strace $0x80000047;
	s12 =	sadd.s32 s17, s4;
	s15 =	smul.u32 $0x2800, s15  }
0xc: {  	s18 =	ssub.s32 $0x2, s9;
	s17 =	sor.u32 $0x50, s24;
	s16 =	smul.u32 $0x2800, s16  }
0xd: {  	s19 =	sshrl.u32 s18, $0x1;
	s6 =	sshrl.u32 s6, $0x2;
	s10 =	smul.u32 $0xA000, s17  }
0xe: {  	s12 =	sadd.s32 $0x186AE00, s12;
	s17 =	smul.u32 $0x2800, s17;
	s1 =	sadd.s32 s5, s1  }
0xf: {  	s13 =	ssub.s32 s18, s19;
	s20 =	sshrl.u32 s7, $0x2;
	s18 =	sor.u32 $0x60, s24  }
0x10: {  	s7 =	sshrl.u32 s22, $0x2;
	s8 =	sshrl.u32 s8, $0x2;
	s22 =	smul.u32 $0x2800, s24  }
0x11: {  	s1 =	sshrl.u32 s1, $0x3;
	s5 =	sadd.s32 s20, s2;
	s19 =	smul.u32 $0xA000, s18  }
0x12: {  	s7 =	sadd.s32 s7, s2;
	s8 =	sadd.s32 s8, s2;
	s20 =	smul.u32 $0x138800, s9  }
0x13: {  	s23 =	sshrl.u32 s10, $0x2;
	s18 =	smul.u32 $0x2800, s18;
	s1 =	sadd.s32 s1, s4  }
0x14: {  	s4 =	sadd.s32 s6, s2;
	s6 =	sshrl.u32 s21, $0x2;
	s21 =	sor.u32 $0x70, s24  }
0x15: {  	s9 =	sadd.s32 s23, s2;
	s23 =	smul.u32 $0x2800, s11;
	s24 =	simm.s32 $0x1  }
0x16: {  	s6 =	sadd.s32 s6, s2;
	s25 =	sshrl.u32 s19, $0x2;
	s26 =	smul.u32 $0xA000, s21  }
0x17: {  	s22 =	sadd.s32 s22, s20;
	s14 =	sadd.s32 s20, s14;
	s15 =	sadd.s32 s20, s15  }
0x18: {  	s16 =	sadd.s32 s20, s16;
	s1 =	sadd.s32 $0x188AE00, s1;
	s10 =	sadd.s32 s25, s2  }
0x19: {  	s25 =	sshrl.u32 s22, $0x3;
	s14 =	sshrl.u32 s14, $0x3;
	s15 =	sshrl.u32 s15, $0x3  }
0x1a: {  	s16 =	sshrl.u32 s16, $0x3;
	s22 =	sadd.s32 s20, s18;
	s19 =	sshrl.u32 s26, $0x2  }
0x1b: {  	s26 =	sadd.s32 s20, s23;
	s14 =	sadd.s32 s0, s14;
	s15 =	sadd.s32 s0, s15  }
0x1c: {  	s11 =	sadd.s32 s19, s2;
	s19 =	sadd.s32 s0, s25;
	[dreg:$0x6] =	wrdreg s14  }
0x1d: {  	s14 =	sadd.s32 s20, s17;
	[dreg:$0x4] =	wrdreg s19;
	s19 =	sshrl.u32 s26, $0x3  }
0x1e: {  	[dreg:$0x7] =	wrdreg s15;
	s14 =	sshrl.u32 s14, $0x3;
	s19 =	sadd.s32 s0, s19  }
0x1f: {  	s14 =	sadd.s32 s0, s14;
	[dreg:$0x5] =	wrdreg s19;
	s19 =	smul.u32 $0x2800, s21  }
0x20: {  	v0 =	vlaneseq.u32;
	s25 =	sshrl.u32 s22, $0x3;
	s21 =	sadd.s32 s0, s16;
	[dreg:$0x9] =	wrdreg s14  }
0x21: {  	v0 =	vmul.u32 $0x2, v0;
	[dreg:$0x8] =	wrdreg s21;
	s21 =	smax.u32 s13, $0x1;
	s23 =	sadd.s32 s20, s19  }
0x22: {  	s19 =	sadd.s32 s0, s25;
	s25 =	simm.s32 $0x80;
	s26 =	sshrl.u32 s23, $0x3  }
0x23: {  	v1 =	vimm.f32 $0.0e+00;
	v2 =	vor.u32 $0x1, v0;
	s23 =	simm.s32 $0x5800;
	s20 =	sadd.s32 s0, s26;
	s26 =	simm.s32 $0x400  }
.LBB2_1:
0x24: {  	s0 =	simm.s32 $0x70;
	s13 =	simm.s32 $0x3C0  }
.LBB2_2:
0x25: {  	p1 =	sne.s32 s13, $0x9FC0;
	[tilespmem:s0+$0x5800] =	vst v1  }
0x26: {  	[tilespmem:s0+$0x5790] =	vst v1  }
0x27: {  	[tilespmem:s0+$0x57A0] =	vst v1  }
.Ltmp0:
0x28: {  	[tilespmem:s0+$0x57B0] =	vst v1;
	(pc) =	sbr.rel @p1 .LBB2_2-.Ltmp0, $4  }
0x29: {  	[tilespmem:s0+$0x57C0] =	vst v1  }
0x2a: {  	[tilespmem:s0+$0x57D0] =	vst v1  }
0x2b: {  	[tilespmem:s0+$0x57E0] =	vst v1  }
0x2c: {  	[tilespmem:s0+$0x57F0] =	vst v1;
	s0 =	sshra.s32 s13, $0x2;
	s13 =	sadd.s32 $0x200, s13  }
0x2d: {  	[tilespmem:s0+$0x5800] =	vst v1  }
0x2e: {  	[tilespmem:s0+$0x5790] =	vst v1  }
0x2f: {  	[tilespmem:s0+$0x57A0] =	vst v1  }
0x30: {  	[tilespmem:s0+$0x57B0] =	vst v1  }
0x31: {  	[tilespmem:s0+$0x57C0] =	vst v1  }
0x32: {  	[tilespmem:s0+$0x57D0] =	vst v1  }
0x33: {  	[tilespmem:s0+$0x57E0] =	vst v1  }
0x34: {  	[tilespmem:s0+$0x57F0] =	vst v1  }
0x35: {  	[spmem:s4] =	stream.linear.scatter [tilespmem:s23], [sflag:$0x1], $0x2800, $0x38;
	[tilespmem:$0x1B880] =	vst v63  }
0x36: {  	_ =	swait.ge [sflag:s24], $0x2800  }
0x37: {  	[sflag:s24] =	ssyncset.done $0x0  }
0x38: {  	[sflag:s24] =	ssyncadd.s32 $0xFFFFD800  }
0x39: {  	[spmem:s5] =	stream.linear.scatter [tilespmem:s23], [sflag:$0x1], $0x2800, $0x38;
	[tilespmem:$0x1B880] =	vst v63  }
0x3a: {  	_ =	swait.ge [sflag:s24], $0x2800  }
0x3b: {  	[sflag:s24] =	ssyncset.done $0x0  }
0x3c: {  	[sflag:s24] =	ssyncadd.s32 $0xFFFFD800  }
0x3d: {  	[spmem:s6] =	stream.linear.scatter [tilespmem:s23], [sflag:$0x1], $0x2800, $0x38;
	[tilespmem:$0x1B880] =	vst v63  }
0x3e: {  	_ =	swait.ge [sflag:s24], $0x2800  }
0x3f: {  	[sflag:s24] =	ssyncset.done $0x0  }
0x40: {  	[sflag:s24] =	ssyncadd.s32 $0xFFFFD800  }
0x41: {  	[spmem:s7] =	stream.linear.scatter [tilespmem:s23], [sflag:$0x1], $0x2800, $0x38;
	[tilespmem:$0x1B880] =	vst v63  }
0x42: {  	_ =	swait.ge [sflag:s24], $0x2800  }
0x43: {  	[sflag:s24] =	ssyncset.done $0x0  }
0x44: {  	[sflag:s24] =	ssyncadd.s32 $0xFFFFD800  }
0x45: {  	[spmem:s8] =	stream.linear.scatter [tilespmem:s23], [sflag:$0x1], $0x2800, $0x38;
	[tilespmem:$0x1B880] =	vst v63  }
0x46: {  	_ =	swait.ge [sflag:s24], $0x2800  }
0x47: {  	[sflag:s24] =	ssyncset.done $0x0  }
0x48: {  	[sflag:s24] =	ssyncadd.s32 $0xFFFFD800  }
0x49: {  	[spmem:s9] =	stream.linear.scatter [tilespmem:s23], [sflag:$0x1], $0x2800, $0x38;
	[tilespmem:$0x1B880] =	vst v63  }
0x4a: {  	_ =	swait.ge [sflag:s24], $0x2800  }
0x4b: {  	[sflag:s24] =	ssyncset.done $0x0  }
0x4c: {  	[sflag:s24] =	ssyncadd.s32 $0xFFFFD800  }
0x4d: {  	[spmem:s10] =	stream.linear.scatter [tilespmem:s23], [sflag:$0x1], $0x2800, $0x38;
	[tilespmem:$0x1B880] =	vst v63  }
0x4e: {  	_ =	swait.ge [sflag:s24], $0x2800  }
0x4f: {  	[sflag:s24] =	ssyncset.done $0x0  }
0x50: {  	s0 =	simm.s32 @!p0 $0x5800;
	[sflag:s24] =	ssyncadd.s32 $0xFFFFD800  }
0x51: {  	[spmem:s11] =	stream.linear.scatter @!p0 [tilespmem:s0], [sflag:$0x1], $0x2800, $0x38;
	[tilespmem:$0x1B880] =	vst v63  }
0x52: {  	s0 =	simm.s32 @!p0 $0x1  }
0x53: {  	_ =	swait.ge @!p0 [sflag:s0], $0x2800  }
0x54: {  	[sflag:s0] =	ssyncset.done @!p0 $0x0  }
0x55: {  	[sflag:s0] =	ssyncadd.s32 @!p0 $0xFFFFD800  }
0x56: {  	s22 =	smov.u32 s1;
	s0 =	simm.s32 $0x0;
	[bflag:$0x0] =	sbarrier.arrive $0xFFFF  }
.LBB2_4:
0x57: {  	s13 =	sshll.u32 s0, $0x9  }
0x58: {  	s14 =	sshll.u32 s0, $0x4;
	s13 =	sand.u32 $0x1000, s13  }
0x59: {  	s14 =	sand.u32 $0x70, s14;
	s13 =	sadd.s32 s13, s12  }
0x5a: {  	v3 =	vor.u32 s31, v0;
	s13 =	sadd.s32 s14, s13  }
0x5b: {  	[tilespmem:s31], [sflag:$0x1] =	stream.strided.gather [hbm4b:s13+s25], $0x1000, s26, s25, $0x38;
	[tilespmem:$0x1B880] =	vst v63  }
0x5c: {  	_ =	swait.ge [sflag:s24], $0x1000  }
0x5d: {  	[sflag:s24] =	ssyncset.done $0x0  }
0x5e: {  	[sflag:s24] =	ssyncadd.s32 $0xFFFFF000  }
0x5f: {  	v3 =	vld.idx.msk [tilespmem:v3+s31+$0x0], $0xffff  }
0x60: {  	v4 =	vor.u32 s31, v2;
	_ =	sdelay $0x2  }
0x61: {  	s14 =	simm.s32 $0x1020  }
0x62: {  	[tilespmem:s14+$0xFFFFFFE0] =	vst v3  }
0x63: {  	s15 =	simm.s32 $0x20;
	v3 =	vld.idx.msk [tilespmem:v4+s31+$0x0], $0xffff  }
0x64: {  	v4 =	vor.u32 s15, v0;
	_ =	sdelay $0x2  }
0x65: {  	s13 =	simm.s32 $0x2020  }
0x66: {  	[tilespmem:s13+$0xFFFFFFE0] =	vst v3  }
0x67: {  	v3 =	vld.idx.msk [tilespmem:v4+s31+$0x0], $0xffff  }
0x68: {  	v4 =	vor.u32 s15, v2;
	_ =	sdelay $0x3  }
0x69: {  	[tilespmem:s14+$0xFFFFFFF0] =	vst v3  }
0x6a: {  	s16 =	simm.s32 $0x40;
	v3 =	vld.idx.msk [tilespmem:v4+s31+$0x0], $0xffff  }
0x6b: {  	v4 =	vor.u32 s16, v0;
	_ =	sdelay $0x3  }
0x6c: {  	[tilespmem:s13+$0xFFFFFFF0] =	vst v3  }
0x6d: {  	v3 =	vld.idx.msk [tilespmem:v4+s31+$0x0], $0xffff  }
0x6e: {  	v4 =	vor.u32 s16, v2;
	_ =	sdelay $0x3  }
0x6f: {  	[tilespmem:s14+$0x0] =	vst v3  }
0x70: {  	s17 =	simm.s32 $0x60;
	v3 =	vld.idx.msk [tilespmem:v4+s31+$0x0], $0xffff  }
0x71: {  	v4 =	vor.u32 s17, v0;
	_ =	sdelay $0x3  }
0x72: {  	[tilespmem:s13+$0x0] =	vst v3  }
0x73: {  	v3 =	vld.idx.msk [tilespmem:v4+s31+$0x0], $0xffff  }
0x74: {  	v4 =	vor.u32 s17, v2;
	_ =	sdelay $0x3  }
0x75: {  	[tilespmem:s14+$0x10] =	vst v3  }
0x76: {  	s18 =	simm.s32 $0x80;
	v3 =	vld.idx.msk [tilespmem:v4+s31+$0x0], $0xffff  }
0x77: {  	v4 =	vor.u32 s18, v0;
	_ =	sdelay $0x3  }
0x78: {  	[tilespmem:s13+$0x10] =	vst v3  }
0x79: {  	v3 =	vld.idx.msk [tilespmem:v4+s31+$0x0], $0xffff  }
0x7a: {  	v4 =	vor.u32 s18, v2;
	_ =	sdelay $0x3  }
0x7b: {  	[tilespmem:s14+$0x20] =	vst v3  }
0x7c: {  	s15 =	simm.s32 $0xA0;
	v3 =	vld.idx.msk [tilespmem:v4+s31+$0x0], $0xffff  }
0x7d: {  	s17 =	simm.s32 $0x140;
	v4 =	vor.u32 s15, v0  }
.LBB2_5:
0x7e: {  	p1 =	sne.s32 s17, $0xF00;
	_ =	sdelay $0x2  }
0x7f: {  	s16 =	simm.s32 $0x0;
	[tilespmem:s13+$0x20] =	vst v3  }
0x80: {  	v3 =	vld.idx.msk [tilespmem:v4+s16+$0x0], $0xffff;
	_ =	sdelay $0x1  }
0x81: {  	v4 =	vor.u32 s15, v2;
	_ =	sdelay $0x2  }
0x82: {  	s14 =	sadd.s32 $0x80, s14  }
0x83: {  	[tilespmem:s14+$0xFFFFFFE0] =	vst v3  }
0x84: {  	v3 =	vld.idx.msk [tilespmem:v4+s16+$0x0], $0xffff  }
0x85: {  	s18 =	sadd.s32 $0x20, s15  }
0x86: {  	v4 =	vor.u32 s18, v0;
	_ =	sdelay $0x2  }
0x87: {  	s13 =	sadd.s32 $0x80, s13  }
0x88: {  	[tilespmem:s13+$0xFFFFFFE0] =	vst v3  }
0x89: {  	v3 =	vld.idx.msk [tilespmem:v4+s16+$0x0], $0xffff;
	_ =	sdelay $0x1  }
0x8a: {  	v4 =	vor.u32 s18, v2;
	_ =	sdelay $0x3  }
0x8b: {  	[tilespmem:s14+$0xFFFFFFF0] =	vst v3  }
0x8c: {  	v3 =	vld.idx.msk [tilespmem:v4+s16+$0x0], $0xffff  }
0x8d: {  	s18 =	sadd.s32 $0x40, s15  }
0x8e: {  	v4 =	vor.u32 s18, v0;
	_ =	sdelay $0x3  }
0x8f: {  	[tilespmem:s13+$0xFFFFFFF0] =	vst v3  }
0x90: {  	v3 =	vld.idx.msk [tilespmem:v4+s16+$0x0], $0xffff;
	_ =	sdelay $0x1  }
0x91: {  	v4 =	vor.u32 s18, v2;
	_ =	sdelay $0x3  }
0x92: {  	[tilespmem:s14+$0x0] =	vst v3  }
0x93: {  	v3 =	vld.idx.msk [tilespmem:v4+s16+$0x0], $0xffff  }
0x94: {  	s18 =	sadd.s32 $0x60, s15  }
0x95: {  	v4 =	vor.u32 s18, v0;
	_ =	sdelay $0x3  }
0x96: {  	[tilespmem:s13+$0x0] =	vst v3  }
0x97: {  	v3 =	vld.idx.msk [tilespmem:v4+s16+$0x0], $0xffff;
	_ =	sdelay $0x1  }
0x98: {  	v4 =	vor.u32 s18, v2;
	_ =	sdelay $0x3  }
0x99: {  	[tilespmem:s14+$0x10] =	vst v3  }
0x9a: {  	v3 =	vld.idx.msk [tilespmem:v4+s16+$0x0], $0xffff  }
0x9b: {  	s18 =	sadd.s32 $0x80, s15;
	s15 =	smov.u32 s17  }
0x9c: {  	v4 =	vor.u32 s18, v0;
	_ =	sdelay $0x3  }
0x9d: {  	[tilespmem:s13+$0x10] =	vst v3  }
0x9e: {  	v3 =	vld.idx.msk [tilespmem:v4+s16+$0x0], $0xffff;
	_ =	sdelay $0x1  }
0x9f: {  	v4 =	vor.u32 s18, v2;
	_ =	sdelay $0x2  }
.Ltmp1:
0xa0: {  	(pc) =	sbr.rel @p1 .LBB2_5-.Ltmp1, $3  }
0xa1: {  	[tilespmem:s14+$0x20] =	vst v3  }
0xa2: {  	v3 =	vld.idx.msk [tilespmem:v4+s16+$0x0], $0xffff;
	_ =	sdelay $0x1  }
0xa3: {  	s17 =	sadd.s32 $0xA0, s17;
	v4 =	vor.u32 s15, v0  }
0xa4: {  	_ =	sdelay $0x2  }
0xa5: {  	[tilespmem:s13+$0x20] =	vst v3  }
0xa6: {  	v3 =	vld.idx.msk [tilespmem:v4+s16+$0x0], $0xffff  }
0xa7: {  	v55 =	vor.u32 s15, v2;
	_ =	sdelay $0x2  }
0xa8: {  	s14 =	sadd.s32 $0x80, s14  }
0xa9: {  	[tilespmem:s14+$0xFFFFFFE0] =	vst v3  }
0xaa: {  	s17 =	sadd.s32 $0x20, s15;
	v3 =	vld.idx.msk [tilespmem:v55+s16+$0x0], $0xffff  }
0xab: {  	v56 =	vor.u32 s17, v0;
	_ =	sdelay $0x2  }
0xac: {  	s13 =	sadd.s32 $0x80, s13  }
0xad: {  	[tilespmem:s13+$0xFFFFFFE0] =	vst v3  }
0xae: {  	v3 =	vld.idx.msk [tilespmem:v56+s16+$0x0], $0xffff  }
0xaf: {  	v57 =	vor.u32 s17, v2;
	_ =	sdelay $0x3  }
0xb0: {  	[tilespmem:s14+$0xFFFFFFF0] =	vst v3  }
0xb1: {  	s18 =	sadd.s32 $0x40, s15;
	v3 =	vld.idx.msk [tilespmem:v57+s16+$0x0], $0xffff  }
0xb2: {  	v58 =	vor.u32 s18, v0;
	_ =	sdelay $0x3  }
0xb3: {  	[tilespmem:s13+$0xFFFFFFF0] =	vst v3  }
0xb4: {  	v3 =	vld.idx.msk [tilespmem:v58+s16+$0x0], $0xffff  }
0xb5: {  	v59 =	vor.u32 s18, v2;
	_ =	sdelay $0x3  }
0xb6: {  	[tilespmem:s14+$0x0] =	vst v3  }
0xb7: {  	s18 =	sadd.s32 $0x60, s15;
	v3 =	vld.idx.msk [tilespmem:v59+s16+$0x0], $0xffff  }
0xb8: {  	v60 =	vor.u32 s18, v0;
	_ =	sdelay $0x3  }
0xb9: {  	[tilespmem:s13+$0x0] =	vst v3  }
0xba: {  	v3 =	vld.idx.msk [tilespmem:v60+s16+$0x0], $0xffff  }
0xbb: {  	v61 =	vor.u32 s18, v2;
	_ =	sdelay $0x3  }
0xbc: {  	[tilespmem:s14+$0x10] =	vst v3  }
0xbd: {  	s18 =	sadd.s32 $0x80, s15;
	v3 =	vld.idx.msk [tilespmem:v61+s16+$0x0], $0xffff  }
0xbe: {  	v62 =	vor.u32 s18, v0;
	_ =	sdelay $0x3  }
0xbf: {  	[tilespmem:s13+$0x10] =	vst v3  }
0xc0: {  	v3 =	vld.idx.msk [tilespmem:v62+s16+$0x0], $0xffff  }
0xc1: {  	v63 =	vor.u32 s18, v2;
	_ =	sdelay $0x3  }
0xc2: {  	[tilespmem:s14+$0x20] =	vst v3  }
0xc3: {  	v3 =	vld.idx.msk [tilespmem:v63+s16+$0x0], $0xffff;
	_ =	sdelay $0x4  }
0xc4: {  	[tilespmem:s13+$0x20] =	vst v3  }
0xc5: {  	[tilespmem:s28], [sflag:$0x1] =	stream.linear.gather [hbm4b:s22+s3], $0x2800, $0x38;
	[tilespmem:$0x1B880] =	vst v63  }
0xc6: {  	_ =	swait.ge [sflag:s24], $0x2800  }
0xc7: {  	[sflag:s24] =	ssyncset.done $0x0  }
0xc8: {  	s17 =	simm.s32 $0x1000;
	[sflag:s24] =	ssyncadd.s32 $0xFFFFD800  }
0xc9: {  	[spmem:s2] =	stream.indirect.scatter.add.f32 [tilespmem:s28], [sflag:$0x1], $0x80, s17, s29, $0xb8;
	[tilespmem:$0x1B880] =	vst v63  }
0xca: {  	p1 =	por $0x1, $0x1;
	_ =	swait.ge [sflag:s24], $0x2800  }
.Ltmp2:
0xcb: {  	[sflag:s24] =	ssyncset.done $0x0;
	(pc) =	sbr.rel @!p1 .LBB2_8-.Ltmp2, $4  }
0xcc: {  	s18 =	simm.s32 $0x2000;
	[sflag:s24] =	ssyncadd.s32 $0xFFFFD800  }
0xcd: {  	[spmem:s2] =	stream.indirect.scatter.add.f32 [tilespmem:s28], [sflag:$0x1], $0x80, s18, s29, $0xb8;
	[tilespmem:$0x1B880] =	vst v63  }
0xce: {  	_ =	swait.ge [sflag:s24], $0x2800  }
0xcf: {  	s14 =	smov.u32 s22;
	s13 =	simm.s32 $0x200;
	[sflag:s24] =	ssyncset.done $0x0  }
.LBB2_7:
0xd0: {  	p1 =	sne.s32 s13, $0x3000;
	[sflag:s24] =	ssyncadd.s32 $0xFFFFD800;
	s14 =	sadd.s32 $0x500, s14  }
0xd1: {  	[tilespmem:s28], [sflag:$0x1] =	stream.linear.gather [hbm4b:s14+s3], $0x2800, $0x38;
	[tilespmem:$0x1B880] =	vst v63  }
0xd2: {  	s15 =	smov.u32 s13;
	s13 =	sadd.s32 $0x200, s13;
	_ =	swait.ge [sflag:s24], $0x2800  }
0xd3: {  	s15 =	sshra.s32 s15, $0x2;
	[sflag:s24] =	ssyncset.done $0x0  }
0xd4: {  	s16 =	sadd.s32 $0x1000, s15;
	[sflag:s24] =	ssyncadd.s32 $0xFFFFD800  }
0xd5: {  	[spmem:s2] =	stream.indirect.scatter.add.f32 [tilespmem:s28], [sflag:$0x1], $0x80, s16, s29, $0xb8;
	[tilespmem:$0x1B880] =	vst v63  }
0xd6: {  	_ =	swait.ge [sflag:s24], $0x2800  }
.Ltmp3:
0xd7: {  	[sflag:s24] =	ssyncset.done $0x0;
	(pc) =	sbr.rel @p1 .LBB2_7-.Ltmp3, $4  }
0xd8: {  	s15 =	sadd.s32 $0x2000, s15;
	[sflag:s24] =	ssyncadd.s32 $0xFFFFD800  }
0xd9: {  	[spmem:s2] =	stream.indirect.scatter.add.f32 [tilespmem:s28], [sflag:$0x1], $0x80, s15, s29, $0xb8;
	[tilespmem:$0x1B880] =	vst v63  }
0xda: {  	_ =	swait.ge [sflag:s24], $0x2800  }
0xdb: {  	[sflag:s24] =	ssyncset.done $0x0  }
.LBB2_8:
0xdc: {  	s0 =	sadd.s32 $0x1, s0  }
0xdd: {  	p1 =	sne.s32 s0, $0xA  }
.Ltmp4:
0xde: {  	_ = 	snop;
	(pc) =	sbr.rel @p1 .LBB2_4-.Ltmp4, $2  }
0xdf: {  	_ =	sdelay $0x2  }
0xe0: {  	[sflag:s24] =	ssyncadd.s32 $0xFFFFD800;
	s22 =	sadd.s32 $0x7D00, s22  }
0xe1: {  	[bflag:$0x0] =	sbarrier.arrive $0xFFFF  }
0xe2: {  	[tilespmem:s23], [sflag:$0x1] =	stream.linear.gather [spmem:s4], $0x2800, $0x38;
	[tilespmem:$0x1B880] =	vst v63  }
0xe3: {  	_ =	swait.ge [sflag:s24], $0x2800  }
0xe4: {  	[sflag:s24] =	ssyncset.done $0x0  }
0xe5: {  	s0 =	rddreg [dreg:$0x4];
	[sflag:s24] =	ssyncadd.s32 $0xFFFFD800  }
0xe6: {  	[hbm4b:s0+s3] =	stream.linear.scatter [tilespmem:s23], [sflag:$0x1], $0x2800, $0x38;
	[tilespmem:$0x1B880] =	vst v63  }
0xe7: {  	_ =	swait.ge [sflag:s24], $0x2800  }
0xe8: {  	[sflag:s24] =	ssyncset.done $0x0  }
0xe9: {  	[sflag:s24] =	ssyncadd.s32 $0xFFFFD800  }
0xea: {  	[tilespmem:s23], [sflag:$0x1] =	stream.linear.gather [spmem:s5], $0x2800, $0x38;
	[tilespmem:$0x1B880] =	vst v63  }
0xeb: {  	_ =	swait.ge [sflag:s24], $0x2800  }
0xec: {  	[sflag:s24] =	ssyncset.done $0x0  }
0xed: {  	s15 =	rddreg [dreg:$0x5];
	[sflag:s24] =	ssyncadd.s32 $0xFFFFD800  }
0xee: {  	[hbm4b:s15+s3] =	stream.linear.scatter [tilespmem:s23], [sflag:$0x1], $0x2800, $0x38;
	[tilespmem:$0x1B880] =	vst v63  }
0xef: {  	_ =	swait.ge [sflag:s24], $0x2800  }
0xf0: {  	[sflag:s24] =	ssyncset.done $0x0  }
0xf1: {  	[sflag:s24] =	ssyncadd.s32 $0xFFFFD800  }
0xf2: {  	[tilespmem:s23], [sflag:$0x1] =	stream.linear.gather [spmem:s6], $0x2800, $0x38;
	[tilespmem:$0x1B880] =	vst v63  }
0xf3: {  	_ =	swait.ge [sflag:s24], $0x2800  }
0xf4: {  	[sflag:s24] =	ssyncset.done $0x0  }
0xf5: {  	s16 =	rddreg [dreg:$0x6];
	[sflag:s24] =	ssyncadd.s32 $0xFFFFD800  }
0xf6: {  	[hbm4b:s16+s3] =	stream.linear.scatter [tilespmem:s23], [sflag:$0x1], $0x2800, $0x38;
	[tilespmem:$0x1B880] =	vst v63  }
0xf7: {  	_ =	swait.ge [sflag:s24], $0x2800  }
0xf8: {  	[sflag:s24] =	ssyncset.done $0x0  }
0xf9: {  	[sflag:s24] =	ssyncadd.s32 $0xFFFFD800  }
0xfa: {  	[tilespmem:s23], [sflag:$0x1] =	stream.linear.gather [spmem:s7], $0x2800, $0x38;
	[tilespmem:$0x1B880] =	vst v63  }
0xfb: {  	_ =	swait.ge [sflag:s24], $0x2800  }
0xfc: {  	[sflag:s24] =	ssyncset.done $0x0  }
0xfd: {  	s17 =	rddreg [dreg:$0x7];
	[sflag:s24] =	ssyncadd.s32 $0xFFFFD800  }
0xfe: {  	[hbm4b:s17+s3] =	stream.linear.scatter [tilespmem:s23], [sflag:$0x1], $0x2800, $0x38;
	[tilespmem:$0x1B880] =	vst v63  }
0xff: {  	_ =	swait.ge [sflag:s24], $0x2800  }
0x100: {  	[sflag:s24] =	ssyncset.done $0x0  }
0x101: {  	[sflag:s24] =	ssyncadd.s32 $0xFFFFD800  }
0x102: {  	[tilespmem:s23], [sflag:$0x1] =	stream.linear.gather [spmem:s8], $0x2800, $0x38;
	[tilespmem:$0x1B880] =	vst v63  }
0x103: {  	_ =	swait.ge [sflag:s24], $0x2800  }
0x104: {  	[sflag:s24] =	ssyncset.done $0x0  }
0x105: {  	s18 =	rddreg [dreg:$0x8];
	[sflag:s24] =	ssyncadd.s32 $0xFFFFD800  }
0x106: {  	[hbm4b:s18+s3] =	stream.linear.scatter [tilespmem:s23], [sflag:$0x1], $0x2800, $0x38;
	[tilespmem:$0x1B880] =	vst v63  }
0x107: {  	_ =	swait.ge [sflag:s24], $0x2800  }
0x108: {  	[sflag:s24] =	ssyncset.done $0x0  }
0x109: {  	[sflag:s24] =	ssyncadd.s32 $0xFFFFD800  }
0x10a: {  	[tilespmem:s23], [sflag:$0x1] =	stream.linear.gather [spmem:s9], $0x2800, $0x38;
	[tilespmem:$0x1B880] =	vst v63  }
0x10b: {  	_ =	swait.ge [sflag:s24], $0x2800  }
0x10c: {  	[sflag:s24] =	ssyncset.done $0x0  }
0x10d: {  	s22 =	rddreg [dreg:$0x9];
	[sflag:s24] =	ssyncadd.s32 $0xFFFFD800  }
0x10e: {  	[hbm4b:s22+s3] =	stream.linear.scatter [tilespmem:s23], [sflag:$0x1], $0x2800, $0x38;
	[tilespmem:$0x1B880] =	vst v63  }
0x10f: {  	_ =	swait.ge [sflag:s24], $0x2800  }
0x110: {  	[sflag:s24] =	ssyncset.done $0x0  }
0x111: {  	[sflag:s24] =	ssyncadd.s32 $0xFFFFD800  }
0x112: {  	[tilespmem:s23], [sflag:$0x1] =	stream.linear.gather [spmem:s10], $0x2800, $0x38;
	[tilespmem:$0x1B880] =	vst v63  }
0x113: {  	_ =	swait.ge [sflag:s24], $0x2800  }
0x114: {  	[sflag:s24] =	ssyncset.done $0x0  }
0x115: {  	[sflag:s24] =	ssyncadd.s32 $0xFFFFD800  }
0x116: {  	[hbm4b:s19+s3] =	stream.linear.scatter [tilespmem:s23], [sflag:$0x1], $0x2800, $0x38;
	[tilespmem:$0x1B880] =	vst v63  }
0x117: {  	_ =	swait.ge [sflag:s24], $0x2800  }
0x118: {  	[sflag:s24] =	ssyncset.done $0x0  }
0x119: {  	s13 =	simm.s32 @!p0 $0x1;
	s0 =	simm.s32 @!p0 $0x5800;
	[sflag:s24] =	ssyncadd.s32 $0xFFFFD800  }
0x11a: {  	[tilespmem:s0], [sflag:$0x1] =	stream.linear.gather @!p0 [spmem:s11], $0x2800, $0x38;
	[tilespmem:$0x1B880] =	vst v63  }
0x11b: {  	s30 =	sadd.s32 $0x1, s30;
	_ =	swait.ge @!p0 [sflag:s13], $0x2800  }
0x11c: {  	p1 =	sne.s32 s30, s21;
	[sflag:s13] =	ssyncset.done @!p0 $0x0  }
.Ltmp5:
0x11d: {  	s14 =	simm.s32 @!p0 $0x0;
	[sflag:s13] =	ssyncadd.s32 @!p0 $0xFFFFD800;
	(pc) =	sbr.rel @p1 .LBB2_1-.Ltmp5, $4  }
0x11e: {  	[hbm4b:s20+s14] =	stream.linear.scatter @!p0 [tilespmem:s0], [sflag:$0x1], $0x2800, $0x38;
	[tilespmem:$0x1B880] =	vst v63  }
0x11f: {  	_ =	swait.ge @!p0 [sflag:s13], $0x2800  }
0x120: {  	[sflag:s13] =	ssyncset.done @!p0 $0x0  }
0x121: {  	[sflag:s13] =	ssyncadd.s32 @!p0 $0xFFFFD800  }
0x122: {  	_ =	sfence.sel $0x180000  }
0x123: {  	[bflag:$0x0] =	sbarrier.arrive $0xFFFF  }
0x124: {  	_ =	strace $0x90000047  }
0x125: {  	s0 =	stileid.u32;
	[bflag:$0x2] =	sbarrier.arrive $0xFFFF  }
0x126: {  	p0 =	sne.s32 s0, $0x0;
	s0 =	rddreg [dreg:$0x3]  }
0x127: {  	s0 =	sadd.s32 @!p0 $0x100000, s0  }
0x128: {  	[sflag:s0] =	ssyncadd.tile.s32 @!p0 $0x1;
	_ =	shalt  }
.Lfunc_end2:
_tile_overlayer_lowered:
.L_overlay_start_2:
0x129: {  	(tag) =	ssettag $0x2  }
0x12a: {  	s0 =	rddreg [dreg:$0x0];
	s2 =	stileid.u32  }
0x12b: {  	s1 =	rddreg [dreg:$0x1];
	p0 =	sne.s32 s2, $0x0  }
0x12c: {  	s3 =	rddreg [dreg:$0x2];
	[bflag:$0x3] =	sbarrier.arrive $0xFFFF;
	s2 =	simm.s32 @!p0 $0x1C01  }
0x12d: {  	[timem:s3], [sflag:s2] =	dma.local @!p0 [hbm:s0], s1  }
0x12e: {  	s0 =	simm.s32 @!p0 $0x1  }
0x12f: {  	_ =	swait.ge @!p0 [sflag:s0], s1  }
0x130: {  	s1 =	ssub.s32 @!p0 $0x0, s1;
	[sflag:s0] =	ssyncset.done @!p0 $0x0  }
0x131: {  	[sflag:s0] =	ssyncadd.s32 @!p0 s1  }
0x132: {  	[bflag:$0x3] =	sbarrier.arrive $0xFFFF  }
0x133: {  	_ =	shalt  }

</sc_bundles>
